<compile_context>
chip_gen: v7x
topology: tpu7x:2x2x1
jax: 0.10.2.dev20260603
libtpu: 0.0.44.dev20260713+nightly
codegen_flags: <defaults>
</compile_context>

<pallas_src>
import functools

import jax
import jax.numpy as jnp
from jax import lax
from jax.experimental import pallas as pl
from jax.experimental.pallas import tpu as pltpu
from jax.experimental.pallas import tpu_sc as plsc

Q = 1024
D = 64
KN = 100000
BLK = 128
NB = 784
KP = NB * BLK
CHUNK = 2048
NCHUNK = KP // CHUNK
BPC = CHUNK // BLK
NSEL = 40
CAND = NSEL * BLK
TOPK = 32

NWAVES = 1
QW = Q // NWAVES

NC, NS, L = 2, 16, 16
NW = NC * NS
QPW = QW // NW
RPW = (QW * TOPK) // NW

_RCHUNK = 128
_ROWS_W = QPW * NSEL
_NRCH = _ROWS_W // _RCHUNK
_NKCH = RPW // _RCHUNK
_NBUF = 4

NEG_INF = float("-inf")


def _score_body(q_ref, k_ref, q2_ref, k2_ref, s_ref, bm_ref):
    i = pl.program_id(0)
    q = q_ref[...]
    kc = k_ref[...]
    dots = lax.dot_general(q, kc, (((1,), (1,)), ((), ())),
                           preferred_element_type=jnp.float32)
    q2 = q2_ref[...]
    k2 = k2_ref[...]
    s = dots - q2 - k2
    col = i * CHUNK + lax.broadcasted_iota(jnp.int32, (1, CHUNK), 1)
    s = jnp.where(col < KN, s, NEG_INF)
    s_ref[...] = s
    parts = [jnp.max(s[:, j * BLK:(j + 1) * BLK], axis=1, keepdims=True)
             for j in range(BPC)]
    bm_ref[...] = jnp.concatenate(parts, axis=1)[None]


_score_call = pl.pallas_call(
    _score_body,
    grid=(NCHUNK,),
    in_specs=[
        pl.BlockSpec((Q, D), lambda i: (0, 0)),
        pl.BlockSpec((CHUNK, D), lambda i: (i, 0)),
        pl.BlockSpec((Q, 1), lambda i: (0, 0)),
        pl.BlockSpec((1, CHUNK), lambda i: (0, i)),
    ],
    out_specs=[
        pl.BlockSpec((Q, CHUNK), lambda i: (0, i)),
        pl.BlockSpec((1, Q, BPC), lambda i: (i, 0, 0)),
    ],
    out_shape=[
        jax.ShapeDtypeStruct((Q, KP), jnp.float32),
        jax.ShapeDtypeStruct((NCHUNK, Q, BPC), jnp.float32),
    ],
)


def _select_body(bm_ref, bids_ref):
    bm = bm_ref[...]
    cid = lax.broadcasted_iota(jnp.int32, (QW, NB), 1)
    tcol = lax.broadcasted_iota(jnp.int32, (QW, NSEL), 1)

    def step(t, carry):
        bm, bids = carry
        m = jnp.max(bm, axis=1)
        eq = bm == m[:, None]
        a = jnp.min(jnp.where(eq, cid, NB), axis=1)
        bids = jnp.where(tcol == t, a[:, None], bids)
        bm = jnp.where(cid == a[:, None], NEG_INF, bm)
        return bm, bids

    bids0 = jnp.zeros((QW, NSEL), jnp.int32)
    _, bids = lax.fori_loop(0, NSEL, step, (bm, bids0))

    def sort_step(t, carry):
        bb, sb = carry
        mn = jnp.min(bb, axis=1)
        sb = jnp.where(tcol == t, mn[:, None], sb)
        bb = jnp.where(bb == mn[:, None], NB + 1, bb)
        return bb, sb

    _, sbids = lax.fori_loop(0, NSEL, sort_step,
                             (bids, jnp.zeros((QW, NSEL), jnp.int32)))
    bids_ref[...] = sbids


_select_call = pl.pallas_call(
    _select_body,
    out_shape=jax.ShapeDtypeStruct((QW, NSEL), jnp.int32),
)


def _sc_compact_body(scores_hbm, fids_hbm, cand_hbm,
                     fidv, cv0, cv1, cv2, cv3, sem0, sem1, sem2, sem3):
    wid = lax.axis_index("s") * NC + lax.axis_index("c")
    pltpu.sync_copy(fids_hbm.at[wid], fidv)

    bufs = (cv0, cv1, cv2, cv3)
    sems = (sem0, sem1, sem2, sem3)

    cps = [
        pltpu.async_copy(scores_hbm.at[fidv.at[c]], bufs[c % _NBUF],
                         sems[c % _NBUF])
        for c in range(min(_NBUF, _NRCH))
    ]
    for c in range(_NRCH):
        cps[c % _NBUF].wait()
        pltpu.sync_copy(
            bufs[c % _NBUF],
            cand_hbm.at[pl.ds(wid * _ROWS_W + c * _RCHUNK, _RCHUNK)])
        if c + _NBUF < _NRCH:
            cps[c % _NBUF] = pltpu.async_copy(
                scores_hbm.at[fidv.at[c + _NBUF]], bufs[c % _NBUF],
                sems[c % _NBUF])


QB = 512


def _final_body(v_ref, b_ref, s_ref, i_ref):
    v = v_ref[...]
    b = b_ref[...]
    iota_c = lax.broadcasted_iota(jnp.int32, (QB, CAND), 1)
    iota_k = lax.broadcasted_iota(jnp.int32, (QB, TOPK), 1)

    def step(t, carry):
        v, sv, sp = carry
        m = jnp.max(v, axis=1)
        eq = v == m[:, None]
        a = jnp.min(jnp.where(eq, iota_c, CAND), axis=1)
        v = jnp.where(iota_c == a[:, None], NEG_INF, v)
        sel_t = iota_k == t
        sv = jnp.where(sel_t, m[:, None], sv)
        sp = jnp.where(sel_t, a[:, None], sp)
        return v, sv, sp

    sv0 = jnp.zeros((QB, TOPK), jnp.float32)
    sp0 = jnp.zeros((QB, TOPK), jnp.int32)
    _, sv, sp = lax.fori_loop(0, TOPK, step, (v, sv0, sp0))

    blk_j = sp >> 7
    lane = sp & (BLK - 1)
    bj = jnp.sum(jnp.where(blk_j[:, :, None] ==
                           lax.broadcasted_iota(jnp.int32, (QB, TOPK, NSEL), 2),
                           b[:, None, :], 0), axis=2)
    s_ref[...] = sv
    i_ref[...] = bj * BLK + lane


_final_call = pl.pallas_call(
    _final_body,
    grid=(QW // QB,),
    in_specs=[
        pl.BlockSpec((QB, CAND), lambda i: (i, 0)),
        pl.BlockSpec((QB, NSEL), lambda i: (i, 0)),
    ],
    out_specs=[
        pl.BlockSpec((QB, TOPK), lambda i: (i, 0)),
        pl.BlockSpec((QB, TOPK), lambda i: (i, 0)),
    ],
    out_shape=[
        jax.ShapeDtypeStruct((QW, TOPK), jnp.float32),
        jax.ShapeDtypeStruct((QW, TOPK), jnp.int32),
    ],
)


def _sc_gather_body(keys_hbm, idx_hbm, out_hbm, idxv, rows0, rows1,
                    rows2, rows3, sem0, sem1, sem2, sem3):
    wid = lax.axis_index("s") * NC + lax.axis_index("c")
    base = wid * RPW
    pltpu.sync_copy(idx_hbm.at[wid], idxv)

    bufs = (rows0, rows1, rows2, rows3)
    sems = (sem0, sem1, sem2, sem3)
    cps = [
        pltpu.async_copy(keys_hbm.at[idxv.at[c]], bufs[c % _NBUF],
                         sems[c % _NBUF])
        for c in range(min(_NBUF, _NKCH))
    ]
    for c in range(_NKCH):
        cps[c % _NBUF].wait()
        pltpu.sync_copy(bufs[c % _NBUF],
                        out_hbm.at[pl.ds(base + c * _RCHUNK, _RCHUNK)])
        if c + _NBUF < _NKCH:
            cps[c % _NBUF] = pltpu.async_copy(
                keys_hbm.at[idxv.at[c + _NBUF]], bufs[c % _NBUF],
                sems[c % _NBUF])


def _out_body(s_ref, g_ref, o_ref):
    s = s_ref[...]
    g = g_ref[...][:, :, :D]
    mx = jnp.max(s, axis=1, keepdims=True)
    e = jnp.exp(s - mx)
    w = e / jnp.sum(e, axis=1, keepdims=True)
    o_ref[...] = jnp.sum(w[:, :, None] * g, axis=1)


_out_call = pl.pallas_call(
    _out_body,
    out_shape=jax.ShapeDtypeStruct((QW, D), jnp.float32),
)


@functools.lru_cache(maxsize=1)
def _sc_calls():
    mesh = plsc.VectorSubcoreMesh(core_axis_name="c", subcore_axis_name="s")
    compact = pl.kernel(
        _sc_compact_body,
        mesh=mesh,
        out_type=jax.ShapeDtypeStruct((QW * NSEL, BLK), jnp.float32),
        scratch_types=[
            pltpu.VMEM((_NRCH, _RCHUNK), jnp.int32),
            pltpu.VMEM((_RCHUNK, BLK), jnp.float32),
            pltpu.VMEM((_RCHUNK, BLK), jnp.float32),
            pltpu.VMEM((_RCHUNK, BLK), jnp.float32),
            pltpu.VMEM((_RCHUNK, BLK), jnp.float32),
            pltpu.SemaphoreType.DMA,
            pltpu.SemaphoreType.DMA,
            pltpu.SemaphoreType.DMA,
            pltpu.SemaphoreType.DMA,
        ],
    )
    gather = pl.kernel(
        _sc_gather_body,
        mesh=mesh,
        out_type=jax.ShapeDtypeStruct((QW * TOPK, 2 * D), jnp.float32),
        scratch_types=[
            pltpu.VMEM((_NKCH, _RCHUNK), jnp.int32),
            pltpu.VMEM((_RCHUNK, 2 * D), jnp.float32),
            pltpu.VMEM((_RCHUNK, 2 * D), jnp.float32),
            pltpu.VMEM((_RCHUNK, 2 * D), jnp.float32),
            pltpu.VMEM((_RCHUNK, 2 * D), jnp.float32),
            pltpu.SemaphoreType.DMA,
            pltpu.SemaphoreType.DMA,
            pltpu.SemaphoreType.DMA,
            pltpu.SemaphoreType.DMA,
        ],
    )
    return compact, gather


def kernel(queries, keys, k):
    del k
    sc_compact, sc_gather = _sc_calls()
    keys_p = jnp.pad(keys, ((0, KP - KN), (0, 0)))
    q2 = jnp.sum(queries * queries, axis=-1, keepdims=True)
    k2 = jnp.pad(jnp.sum(keys * keys, axis=-1), (0, KP - KN))
    scores, bmax3 = _score_call(2.0 * queries, keys_p, q2, k2[None, :])
    bmax = jnp.transpose(bmax3, (1, 0, 2)).reshape(Q, NB)
    scores2 = scores.reshape(Q * NB, BLK)
    keys_w = jnp.pad(keys, ((0, 0), (0, D)))

    outs, tvs, tis = [], [], []
    for w in range(NWAVES):
        sb = _select_call(bmax[w * QW:(w + 1) * QW])
        fids = sb + (jnp.arange(QW, dtype=jnp.int32)[:, None]
                     + w * QW) * NB
        cand = sc_compact(scores2, fids.reshape(NW, _NRCH, _RCHUNK))
        topv, topidx = _final_call(cand.reshape(QW, CAND), sb)
        gk = sc_gather(keys_w, topidx.reshape(NW, _NKCH, _RCHUNK))
        out = _out_call(topv, gk.reshape(QW, TOPK, 2 * D))
        outs.append(out)
        tvs.append(topv)
        tis.append(topidx)

    return (jnp.concatenate(outs, axis=0),
            jnp.concatenate(tvs, axis=0),
            jnp.concatenate(tis, axis=0))

# --- scband reference (transcript-rebuilt; emitter-appended) ---
"""Pipeline reference for scband-motion-primitive-decoder-83451214561465 (READ-ONLY COPY).

The authoritative reference and input builder live on the scoring server;
editing this copy changes nothing except your own understanding.
"""

import jax, jax.numpy as jnp
import numpy as np


def setup_inputs(seed: int = 0) -> dict:
    key = jax.random.key(seed)
    k1, k2 = jax.random.split(key)
    queries = jax.random.normal(k1, (1024, 64), dtype=jnp.float32)
    keys = jax.random.normal(k2, (100000, 64), dtype=jnp.float32)
    return {"queries": queries, "keys": keys, "k": 32}


def reference(queries, keys, k):
    # kNN retrieval over map-primitive keys (negative squared euclidean)
    q2 = jnp.sum(queries * queries, axis=-1, keepdims=True)          # [Q,1]
    k2 = jnp.sum(keys * keys, axis=-1)                               # [K]
    dots = queries @ keys.T                                          # [Q,K]
    neg_dist2 = 2.0 * dots - q2 - k2[None, :]                        # [Q,K]
    k_static = 32
    neg_dist2 = neg_dist2 + jnp.zeros((), neg_dist2.dtype) * k
    scores, idx = jax.lax.top_k(neg_dist2, k_static)                 # [Q,k]
    gathered = jnp.take(keys, idx, axis=0)                           # [Q,k,d]
    # soft aggregation over retrieved primitives (utility-weighted pooling)
    w = jax.nn.softmax(scores, axis=-1)                              # [Q,k]
    out = jnp.sum(w[..., None] * gathered, axis=-2)                  # [Q,d]
    return out, scores, idx

if __name__ == "__main__":
    import jax
    _d = setup_inputs()
    print(jax.jit(kernel)(*tuple(_d.values())))

</pallas_src>

<mosaic_0001>
#map = affine_map<(d0, d1) -> (0, 0)>
#map1 = affine_map<(d0, d1) -> (0, 0, 0)>
module attributes {stable_mosaic.version = 14 : i64} {
  func.func @_sc_gather_body(%arg0: i32, %arg1: i32, %arg2: memref<100000x128xf32, #tpu.memory_space<hbm>>, %arg3: memref<32x8x128xi32, #tpu.memory_space<hbm>>, %arg4: memref<32768x128xf32, #tpu.memory_space<hbm>>, %arg5: memref<8x128xi32, #tpu.memory_space<vmem>>, %arg6: memref<128x128xf32, #tpu.memory_space<vmem>>, %arg7: memref<128x128xf32, #tpu.memory_space<vmem>>, %arg8: memref<128x128xf32, #tpu.memory_space<vmem>>, %arg9: memref<128x128xf32, #tpu.memory_space<vmem>>, %arg10: memref<!tpu.dma_semaphore, #tpu.memory_space<semaphore_mem>>, %arg11: memref<!tpu.dma_semaphore, #tpu.memory_space<semaphore_mem>>, %arg12: memref<!tpu.dma_semaphore, #tpu.memory_space<semaphore_mem>>, %arg13: memref<!tpu.dma_semaphore, #tpu.memory_space<semaphore_mem>>) attributes {dimension_semantics = [#tpu.dimension_semantics<core_parallel>, #tpu.dimension_semantics<subcore_parallel>], iteration_bounds = array<i64: 2, 16>, scalar_prefetch = 0 : i64, scratch_operands = 9 : i64, tpu.core_type = #tpu.core_type<sc_vector_subcore>, window_params = [{transform_indices = #map}, {transform_indices = #map1}, {transform_indices = #map}]} {
    %mul3A = arith.constant 2 : i32
    %mul3A_0 = arith.muli %arg1, %mul3A : i32
    %add3A = arith.addi %mul3A_0, %arg0 : i32
    %mul3A_1 = arith.constant 1024 : i32
    %mul3A_2 = arith.muli %add3A, %mul3A_1 : i32
    "tpu.region"() ({
      %run_scoped3A = tpu.sem_alloc : memref<!tpu.dma_semaphore, #tpu.memory_space<semaphore_mem>>
      %dma_start3A_129 = arith.constant 0 : i32
      %dma_start3A_130 = arith.constant 0 : i32
      %dma_start3A_131 = tpu.memref_slice %arg3[%add3A, %dma_start3A_129, %dma_start3A_130] : memref<32x8x128xi32, #tpu.memory_space<hbm>> -> memref<1x8x128xi32, #tpu.memory_space<hbm>>
      %dma_start3A_132 = tpu.memref_squeeze %dma_start3A_131 : memref<1x8x128xi32, #tpu.memory_space<hbm>> -> memref<8x128xi32, #tpu.memory_space<hbm>>
      %dma_start3A_133 = arith.constant 0 : i32
      %dma_start3A_134 = arith.constant 0 : i32
      %dma_start3A_135 = tpu.memref_slice %arg3[%add3A, %dma_start3A_133, %dma_start3A_134] : memref<32x8x128xi32, #tpu.memory_space<hbm>> -> memref<1x8x128xi32, #tpu.memory_space<hbm>>
      %dma_start3A_136 = tpu.memref_squeeze %dma_start3A_135 : memref<1x8x128xi32, #tpu.memory_space<hbm>> -> memref<8x128xi32, #tpu.memory_space<hbm>>
      tpu.enqueue_dma source(%dma_start3A_136 : memref<8x128xi32, #tpu.memory_space<hbm>>) target(%arg5 : memref<8x128xi32, #tpu.memory_space<vmem>>) target_semaphore(%run_scoped3A : memref<!tpu.dma_semaphore, #tpu.memory_space<semaphore_mem>>)
      %dma_wait3A_137 = arith.constant 0 : i32
      %dma_wait3A_138 = arith.constant 0 : i32
      %dma_wait3A_139 = tpu.memref_slice %arg3[%add3A, %dma_wait3A_137, %dma_wait3A_138] : memref<32x8x128xi32, #tpu.memory_space<hbm>> -> memref<1x8x128xi32, #tpu.memory_space<hbm>>
      %dma_wait3A_140 = tpu.memref_squeeze %dma_wait3A_139 : memref<1x8x128xi32, #tpu.memory_space<hbm>> -> memref<8x128xi32, #tpu.memory_space<hbm>>
      %dma_wait3A_141 = arith.constant 0 : i32
      %dma_wait3A_142 = arith.constant 0 : i32
      %dma_wait3A_143 = tpu.memref_slice %arg3[%add3A, %dma_wait3A_141, %dma_wait3A_142] : memref<32x8x128xi32, #tpu.memory_space<hbm>> -> memref<1x8x128xi32, #tpu.memory_space<hbm>>
      %dma_wait3A_144 = tpu.memref_squeeze %dma_wait3A_143 : memref<1x8x128xi32, #tpu.memory_space<hbm>> -> memref<8x128xi32, #tpu.memory_space<hbm>>
      tpu.wait_dma2 semaphore(%run_scoped3A : memref<!tpu.dma_semaphore, #tpu.memory_space<semaphore_mem>>) src(%dma_wait3A_144 : memref<8x128xi32, #tpu.memory_space<hbm>>) dst(%arg5 : memref<8x128xi32, #tpu.memory_space<vmem>>)
      tpu.yield
    }) : () -> ()
    %dma_start3A = arith.constant 0 : i32
    %dma_start3A_3 = arith.constant 0 : i32
    %dma_start3A_4 = tpu.memref_slice %arg5[%dma_start3A, %dma_start3A_3] : memref<8x128xi32, #tpu.memory_space<vmem>> -> memref<1x128xi32, #tpu.memory_space<vmem>>
    %dma_start3A_5 = tpu.memref_squeeze %dma_start3A_4 : memref<1x128xi32, #tpu.memory_space<vmem>> -> memref<128xi32, #tpu.memory_space<vmem>>
    %dma_start3A_6 = arith.constant 0 : i32
    %dma_start3A_7 = arith.constant 0 : i32
    %dma_start3A_8 = tpu.memref_slice %arg2[%dma_start3A_6, %dma_start3A_7] : memref<100000x128xf32, #tpu.memory_space<hbm>> -> memref<100000x128xf32, #tpu.memory_space<hbm>>
    tpu.enqueue_indirect_dma source(%dma_start3A_8 : memref<100000x128xf32, #tpu.memory_space<hbm>>) target(%arg6 : memref<128x128xf32, #tpu.memory_space<vmem>>) offsets(%dma_start3A_5 : memref<128xi32, #tpu.memory_space<vmem>>) semaphore(%arg10 : memref<!tpu.dma_semaphore, #tpu.memory_space<semaphore_mem>>)
    %dma_start3A_9 = arith.constant 1 : i32
    %dma_start3A_10 = arith.constant 0 : i32
    %dma_start3A_11 = tpu.memref_slice %arg5[%dma_start3A_9, %dma_start3A_10] : memref<8x128xi32, #tpu.memory_space<vmem>> -> memref<1x128xi32, #tpu.memory_space<vmem>>
    %dma_start3A_12 = tpu.memref_squeeze %dma_start3A_11 : memref<1x128xi32, #tpu.memory_space<vmem>> -> memref<128xi32, #tpu.memory_space<vmem>>
    %dma_start3A_13 = arith.constant 0 : i32
    %dma_start3A_14 = arith.constant 0 : i32
    %dma_start3A_15 = tpu.memref_slice %arg2[%dma_start3A_13, %dma_start3A_14] : memref<100000x128xf32, #tpu.memory_space<hbm>> -> memref<100000x128xf32, #tpu.memory_space<hbm>>
    tpu.enqueue_indirect_dma source(%dma_start3A_15 : memref<100000x128xf32, #tpu.memory_space<hbm>>) target(%arg7 : memref<128x128xf32, #tpu.memory_space<vmem>>) offsets(%dma_start3A_12 : memref<128xi32, #tpu.memory_space<vmem>>) semaphore(%arg11 : memref<!tpu.dma_semaphore, #tpu.memory_space<semaphore_mem>>)
    %dma_start3A_16 = arith.constant 2 : i32
    %dma_start3A_17 = arith.constant 0 : i32
    %dma_start3A_18 = tpu.memref_slice %arg5[%dma_start3A_16, %dma_start3A_17] : memref<8x128xi32, #tpu.memory_space<vmem>> -> memref<1x128xi32, #tpu.memory_space<vmem>>
    %dma_start3A_19 = tpu.memref_squeeze %dma_start3A_18 : memref<1x128xi32, #tpu.memory_space<vmem>> -> memref<128xi32, #tpu.memory_space<vmem>>
    %dma_start3A_20 = arith.constant 0 : i32
    %dma_start3A_21 = arith.constant 0 : i32
    %dma_start3A_22 = tpu.memref_slice %arg2[%dma_start3A_20, %dma_start3A_21] : memref<100000x128xf32, #tpu.memory_space<hbm>> -> memref<100000x128xf32, #tpu.memory_space<hbm>>
    tpu.enqueue_indirect_dma source(%dma_start3A_22 : memref<100000x128xf32, #tpu.memory_space<hbm>>) target(%arg8 : memref<128x128xf32, #tpu.memory_space<vmem>>) offsets(%dma_start3A_19 : memref<128xi32, #tpu.memory_space<vmem>>) semaphore(%arg12 : memref<!tpu.dma_semaphore, #tpu.memory_space<semaphore_mem>>)
    %dma_start3A_23 = arith.constant 3 : i32
    %dma_start3A_24 = arith.constant 0 : i32
    %dma_start3A_25 = tpu.memref_slice %arg5[%dma_start3A_23, %dma_start3A_24] : memref<8x128xi32, #tpu.memory_space<vmem>> -> memref<1x128xi32, #tpu.memory_space<vmem>>
    %dma_start3A_26 = tpu.memref_squeeze %dma_start3A_25 : memref<1x128xi32, #tpu.memory_space<vmem>> -> memref<128xi32, #tpu.memory_space<vmem>>
    %dma_start3A_27 = arith.constant 0 : i32
    %dma_start3A_28 = arith.constant 0 : i32
    %dma_start3A_29 = tpu.memref_slice %arg2[%dma_start3A_27, %dma_start3A_28] : memref<100000x128xf32, #tpu.memory_space<hbm>> -> memref<100000x128xf32, #tpu.memory_space<hbm>>
    tpu.enqueue_indirect_dma source(%dma_start3A_29 : memref<100000x128xf32, #tpu.memory_space<hbm>>) target(%arg9 : memref<128x128xf32, #tpu.memory_space<vmem>>) offsets(%dma_start3A_26 : memref<128xi32, #tpu.memory_space<vmem>>) semaphore(%arg13 : memref<!tpu.dma_semaphore, #tpu.memory_space<semaphore_mem>>)
    %dma_wait3A = arith.constant 0 : i32
    %dma_wait3A_30 = arith.constant 0 : i32
    %dma_wait3A_31 = tpu.memref_slice %arg5[%dma_wait3A, %dma_wait3A_30] : memref<8x128xi32, #tpu.memory_space<vmem>> -> memref<1x128xi32, #tpu.memory_space<vmem>>
    %dma_wait3A_32 = tpu.memref_squeeze %dma_wait3A_31 : memref<1x128xi32, #tpu.memory_space<vmem>> -> memref<128xi32, #tpu.memory_space<vmem>>
    %dma_wait3A_33 = arith.constant 0 : i32
    %dma_wait3A_34 = arith.constant 0 : i32
    %dma_wait3A_35 = tpu.memref_slice %arg2[%dma_wait3A_33, %dma_wait3A_34] : memref<100000x128xf32, #tpu.memory_space<hbm>> -> memref<100000x128xf32, #tpu.memory_space<hbm>>
    tpu.wait_indirect_dma semaphore(%arg10 : memref<!tpu.dma_semaphore, #tpu.memory_space<semaphore_mem>>) src(%dma_wait3A_35 : memref<100000x128xf32, #tpu.memory_space<hbm>>) dst(%arg6 : memref<128x128xf32, #tpu.memory_space<vmem>>)
    %add3A_36 = arith.constant 0 : i32
    %add3A_37 = arith.addi %mul3A_2, %add3A_36 : i32
    "tpu.region"() ({
      %run_scoped3A = tpu.sem_alloc : memref<!tpu.dma_semaphore, #tpu.memory_space<semaphore_mem>>
      %dma_start3A_129 = arith.constant 0 : i32
      %dma_start3A_130 = tpu.memref_slice %arg4[%add3A_37, %dma_start3A_129] : memref<32768x128xf32, #tpu.memory_space<hbm>> -> memref<128x128xf32, #tpu.memory_space<hbm>>
      %dma_start3A_131 = arith.constant 0 : i32
      %dma_start3A_132 = tpu.memref_slice %arg4[%add3A_37, %dma_start3A_131] : memref<32768x128xf32, #tpu.memory_space<hbm>> -> memref<128x128xf32, #tpu.memory_space<hbm>>
      tpu.enqueue_dma source(%arg6 : memref<128x128xf32, #tpu.memory_space<vmem>>) target(%dma_start3A_132 : memref<128x128xf32, #tpu.memory_space<hbm>>) target_semaphore(%run_scoped3A : memref<!tpu.dma_semaphore, #tpu.memory_space<semaphore_mem>>)
      %dma_wait3A_133 = arith.constant 0 : i32
      %dma_wait3A_134 = tpu.memref_slice %arg4[%add3A_37, %dma_wait3A_133] : memref<32768x128xf32, #tpu.memory_space<hbm>> -> memref<128x128xf32, #tpu.memory_space<hbm>>
      %dma_wait3A_135 = arith.constant 0 : i32
      %dma_wait3A_136 = tpu.memref_slice %arg4[%add3A_37, %dma_wait3A_135] : memref<32768x128xf32, #tpu.memory_space<hbm>> -> memref<128x128xf32, #tpu.memory_space<hbm>>
      tpu.wait_dma2 semaphore(%run_scoped3A : memref<!tpu.dma_semaphore, #tpu.memory_space<semaphore_mem>>) src(%arg6 : memref<128x128xf32, #tpu.memory_space<vmem>>) dst(%dma_wait3A_136 : memref<128x128xf32, #tpu.memory_space<hbm>>)
      tpu.yield
    }) : () -> ()
    %dma_start3A_38 = arith.constant 4 : i32
    %dma_start3A_39 = arith.constant 0 : i32
    %dma_start3A_40 = tpu.memref_slice %arg5[%dma_start3A_38, %dma_start3A_39] : memref<8x128xi32, #tpu.memory_space<vmem>> -> memref<1x128xi32, #tpu.memory_space<vmem>>
    %dma_start3A_41 = tpu.memref_squeeze %dma_start3A_40 : memref<1x128xi32, #tpu.memory_space<vmem>> -> memref<128xi32, #tpu.memory_space<vmem>>
    %dma_start3A_42 = arith.constant 0 : i32
    %dma_start3A_43 = arith.constant 0 : i32
    %dma_start3A_44 = tpu.memref_slice %arg2[%dma_start3A_42, %dma_start3A_43] : memref<100000x128xf32, #tpu.memory_space<hbm>> -> memref<100000x128xf32, #tpu.memory_space<hbm>>
    tpu.enqueue_indirect_dma source(%dma_start3A_44 : memref<100000x128xf32, #tpu.memory_space<hbm>>) target(%arg6 : memref<128x128xf32, #tpu.memory_space<vmem>>) offsets(%dma_start3A_41 : memref<128xi32, #tpu.memory_space<vmem>>) semaphore(%arg10 : memref<!tpu.dma_semaphore, #tpu.memory_space<semaphore_mem>>)
    %dma_wait3A_45 = arith.constant 1 : i32
    %dma_wait3A_46 = arith.constant 0 : i32
    %dma_wait3A_47 = tpu.memref_slice %arg5[%dma_wait3A_45, %dma_wait3A_46] : memref<8x128xi32, #tpu.memory_space<vmem>> -> memref<1x128xi32, #tpu.memory_space<vmem>>
    %dma_wait3A_48 = tpu.memref_squeeze %dma_wait3A_47 : memref<1x128xi32, #tpu.memory_space<vmem>> -> memref<128xi32, #tpu.memory_space<vmem>>
    %dma_wait3A_49 = arith.constant 0 : i32
    %dma_wait3A_50 = arith.constant 0 : i32
    %dma_wait3A_51 = tpu.memref_slice %arg2[%dma_wait3A_49, %dma_wait3A_50] : memref<100000x128xf32, #tpu.memory_space<hbm>> -> memref<100000x128xf32, #tpu.memory_space<hbm>>
    tpu.wait_indirect_dma semaphore(%arg11 : memref<!tpu.dma_semaphore, #tpu.memory_space<semaphore_mem>>) src(%dma_wait3A_51 : memref<100000x128xf32, #tpu.memory_space<hbm>>) dst(%arg7 : memref<128x128xf32, #tpu.memory_space<vmem>>)
    %add3A_52 = arith.constant 128 : i32
    %add3A_53 = arith.addi %mul3A_2, %add3A_52 : i32
    "tpu.region"() ({
      %run_scoped3A = tpu.sem_alloc : memref<!tpu.dma_semaphore, #tpu.memory_space<semaphore_mem>>
      %dma_start3A_129 = arith.constant 0 : i32
      %dma_start3A_130 = tpu.memref_slice %arg4[%add3A_53, %dma_start3A_129] : memref<32768x128xf32, #tpu.memory_space<hbm>> -> memref<128x128xf32, #tpu.memory_space<hbm>>
      %dma_start3A_131 = arith.constant 0 : i32
      %dma_start3A_132 = tpu.memref_slice %arg4[%add3A_53, %dma_start3A_131] : memref<32768x128xf32, #tpu.memory_space<hbm>> -> memref<128x128xf32, #tpu.memory_space<hbm>>
      tpu.enqueue_dma source(%arg7 : memref<128x128xf32, #tpu.memory_space<vmem>>) target(%dma_start3A_132 : memref<128x128xf32, #tpu.memory_space<hbm>>) target_semaphore(%run_scoped3A : memref<!tpu.dma_semaphore, #tpu.memory_space<semaphore_mem>>)
      %dma_wait3A_133 = arith.constant 0 : i32
      %dma_wait3A_134 = tpu.memref_slice %arg4[%add3A_53, %dma_wait3A_133] : memref<32768x128xf32, #tpu.memory_space<hbm>> -> memref<128x128xf32, #tpu.memory_space<hbm>>
      %dma_wait3A_135 = arith.constant 0 : i32
      %dma_wait3A_136 = tpu.memref_slice %arg4[%add3A_53, %dma_wait3A_135] : memref<32768x128xf32, #tpu.memory_space<hbm>> -> memref<128x128xf32, #tpu.memory_space<hbm>>
      tpu.wait_dma2 semaphore(%run_scoped3A : memref<!tpu.dma_semaphore, #tpu.memory_space<semaphore_mem>>) src(%arg7 : memref<128x128xf32, #tpu.memory_space<vmem>>) dst(%dma_wait3A_136 : memref<128x128xf32, #tpu.memory_space<hbm>>)
      tpu.yield
    }) : () -> ()
    %dma_start3A_54 = arith.constant 5 : i32
    %dma_start3A_55 = arith.constant 0 : i32
    %dma_start3A_56 = tpu.memref_slice %arg5[%dma_start3A_54, %dma_start3A_55] : memref<8x128xi32, #tpu.memory_space<vmem>> -> memref<1x128xi32, #tpu.memory_space<vmem>>
    %dma_start3A_57 = tpu.memref_squeeze %dma_start3A_56 : memref<1x128xi32, #tpu.memory_space<vmem>> -> memref<128xi32, #tpu.memory_space<vmem>>
    %dma_start3A_58 = arith.constant 0 : i32
    %dma_start3A_59 = arith.constant 0 : i32
    %dma_start3A_60 = tpu.memref_slice %arg2[%dma_start3A_58, %dma_start3A_59] : memref<100000x128xf32, #tpu.memory_space<hbm>> -> memref<100000x128xf32, #tpu.memory_space<hbm>>
    tpu.enqueue_indirect_dma source(%dma_start3A_60 : memref<100000x128xf32, #tpu.memory_space<hbm>>) target(%arg7 : memref<128x128xf32, #tpu.memory_space<vmem>>) offsets(%dma_start3A_57 : memref<128xi32, #tpu.memory_space<vmem>>) semaphore(%arg11 : memref<!tpu.dma_semaphore, #tpu.memory_space<semaphore_mem>>)
    %dma_wait3A_61 = arith.constant 2 : i32
    %dma_wait3A_62 = arith.constant 0 : i32
    %dma_wait3A_63 = tpu.memref_slice %arg5[%dma_wait3A_61, %dma_wait3A_62] : memref<8x128xi32, #tpu.memory_space<vmem>> -> memref<1x128xi32, #tpu.memory_space<vmem>>
    %dma_wait3A_64 = tpu.memref_squeeze %dma_wait3A_63 : memref<1x128xi32, #tpu.memory_space<vmem>> -> memref<128xi32, #tpu.memory_space<vmem>>
    %dma_wait3A_65 = arith.constant 0 : i32
    %dma_wait3A_66 = arith.constant 0 : i32
    %dma_wait3A_67 = tpu.memref_slice %arg2[%dma_wait3A_65, %dma_wait3A_66] : memref<100000x128xf32, #tpu.memory_space<hbm>> -> memref<100000x128xf32, #tpu.memory_space<hbm>>
    tpu.wait_indirect_dma semaphore(%arg12 : memref<!tpu.dma_semaphore, #tpu.memory_space<semaphore_mem>>) src(%dma_wait3A_67 : memref<100000x128xf32, #tpu.memory_space<hbm>>) dst(%arg8 : memref<128x128xf32, #tpu.memory_space<vmem>>)
    %add3A_68 = arith.constant 256 : i32
    %add3A_69 = arith.addi %mul3A_2, %add3A_68 : i32
    "tpu.region"() ({
      %run_scoped3A = tpu.sem_alloc : memref<!tpu.dma_semaphore, #tpu.memory_space<semaphore_mem>>
      %dma_start3A_129 = arith.constant 0 : i32
      %dma_start3A_130 = tpu.memref_slice %arg4[%add3A_69, %dma_start3A_129] : memref<32768x128xf32, #tpu.memory_space<hbm>> -> memref<128x128xf32, #tpu.memory_space<hbm>>
      %dma_start3A_131 = arith.constant 0 : i32
      %dma_start3A_132 = tpu.memref_slice %arg4[%add3A_69, %dma_start3A_131] : memref<32768x128xf32, #tpu.memory_space<hbm>> -> memref<128x128xf32, #tpu.memory_space<hbm>>
      tpu.enqueue_dma source(%arg8 : memref<128x128xf32, #tpu.memory_space<vmem>>) target(%dma_start3A_132 : memref<128x128xf32, #tpu.memory_space<hbm>>) target_semaphore(%run_scoped3A : memref<!tpu.dma_semaphore, #tpu.memory_space<semaphore_mem>>)
      %dma_wait3A_133 = arith.constant 0 : i32
      %dma_wait3A_134 = tpu.memref_slice %arg4[%add3A_69, %dma_wait3A_133] : memref<32768x128xf32, #tpu.memory_space<hbm>> -> memref<128x128xf32, #tpu.memory_space<hbm>>
      %dma_wait3A_135 = arith.constant 0 : i32
      %dma_wait3A_136 = tpu.memref_slice %arg4[%add3A_69, %dma_wait3A_135] : memref<32768x128xf32, #tpu.memory_space<hbm>> -> memref<128x128xf32, #tpu.memory_space<hbm>>
      tpu.wait_dma2 semaphore(%run_scoped3A : memref<!tpu.dma_semaphore, #tpu.memory_space<semaphore_mem>>) src(%arg8 : memref<128x128xf32, #tpu.memory_space<vmem>>) dst(%dma_wait3A_136 : memref<128x128xf32, #tpu.memory_space<hbm>>)
      tpu.yield
    }) : () -> ()
    %dma_start3A_70 = arith.constant 6 : i32
    %dma_start3A_71 = arith.constant 0 : i32
    %dma_start3A_72 = tpu.memref_slice %arg5[%dma_start3A_70, %dma_start3A_71] : memref<8x128xi32, #tpu.memory_space<vmem>> -> memref<1x128xi32, #tpu.memory_space<vmem>>
    %dma_start3A_73 = tpu.memref_squeeze %dma_start3A_72 : memref<1x128xi32, #tpu.memory_space<vmem>> -> memref<128xi32, #tpu.memory_space<vmem>>
    %dma_start3A_74 = arith.constant 0 : i32
    %dma_start3A_75 = arith.constant 0 : i32
    %dma_start3A_76 = tpu.memref_slice %arg2[%dma_start3A_74, %dma_start3A_75] : memref<100000x128xf32, #tpu.memory_space<hbm>> -> memref<100000x128xf32, #tpu.memory_space<hbm>>
    tpu.enqueue_indirect_dma source(%dma_start3A_76 : memref<100000x128xf32, #tpu.memory_space<hbm>>) target(%arg8 : memref<128x128xf32, #tpu.memory_space<vmem>>) offsets(%dma_start3A_73 : memref<128xi32, #tpu.memory_space<vmem>>) semaphore(%arg12 : memref<!tpu.dma_semaphore, #tpu.memory_space<semaphore_mem>>)
    %dma_wait3A_77 = arith.constant 3 : i32
    %dma_wait3A_78 = arith.constant 0 : i32
    %dma_wait3A_79 = tpu.memref_slice %arg5[%dma_wait3A_77, %dma_wait3A_78] : memref<8x128xi32, #tpu.memory_space<vmem>> -> memref<1x128xi32, #tpu.memory_space<vmem>>
    %dma_wait3A_80 = tpu.memref_squeeze %dma_wait3A_79 : memref<1x128xi32, #tpu.memory_space<vmem>> -> memref<128xi32, #tpu.memory_space<vmem>>
    %dma_wait3A_81 = arith.constant 0 : i32
    %dma_wait3A_82 = arith.constant 0 : i32
    %dma_wait3A_83 = tpu.memref_slice %arg2[%dma_wait3A_81, %dma_wait3A_82] : memref<100000x128xf32, #tpu.memory_space<hbm>> -> memref<100000x128xf32, #tpu.memory_space<hbm>>
    tpu.wait_indirect_dma semaphore(%arg13 : memref<!tpu.dma_semaphore, #tpu.memory_space<semaphore_mem>>) src(%dma_wait3A_83 : memref<100000x128xf32, #tpu.memory_space<hbm>>) dst(%arg9 : memref<128x128xf32, #tpu.memory_space<vmem>>)
    %add3A_84 = arith.constant 384 : i32
    %add3A_85 = arith.addi %mul3A_2, %add3A_84 : i32
    "tpu.region"() ({
      %run_scoped3A = tpu.sem_alloc : memref<!tpu.dma_semaphore, #tpu.memory_space<semaphore_mem>>
      %dma_start3A_129 = arith.constant 0 : i32
      %dma_start3A_130 = tpu.memref_slice %arg4[%add3A_85, %dma_start3A_129] : memref<32768x128xf32, #tpu.memory_space<hbm>> -> memref<128x128xf32, #tpu.memory_space<hbm>>
      %dma_start3A_131 = arith.constant 0 : i32
      %dma_start3A_132 = tpu.memref_slice %arg4[%add3A_85, %dma_start3A_131] : memref<32768x128xf32, #tpu.memory_space<hbm>> -> memref<128x128xf32, #tpu.memory_space<hbm>>
      tpu.enqueue_dma source(%arg9 : memref<128x128xf32, #tpu.memory_space<vmem>>) target(%dma_start3A_132 : memref<128x128xf32, #tpu.memory_space<hbm>>) target_semaphore(%run_scoped3A : memref<!tpu.dma_semaphore, #tpu.memory_space<semaphore_mem>>)
      %dma_wait3A_133 = arith.constant 0 : i32
      %dma_wait3A_134 = tpu.memref_slice %arg4[%add3A_85, %dma_wait3A_133] : memref<32768x128xf32, #tpu.memory_space<hbm>> -> memref<128x128xf32, #tpu.memory_space<hbm>>
      %dma_wait3A_135 = arith.constant 0 : i32
      %dma_wait3A_136 = tpu.memref_slice %arg4[%add3A_85, %dma_wait3A_135] : memref<32768x128xf32, #tpu.memory_space<hbm>> -> memref<128x128xf32, #tpu.memory_space<hbm>>
      tpu.wait_dma2 semaphore(%run_scoped3A : memref<!tpu.dma_semaphore, #tpu.memory_space<semaphore_mem>>) src(%arg9 : memref<128x128xf32, #tpu.memory_space<vmem>>) dst(%dma_wait3A_136 : memref<128x128xf32, #tpu.memory_space<hbm>>)
      tpu.yield
    }) : () -> ()
    %dma_start3A_86 = arith.constant 7 : i32
    %dma_start3A_87 = arith.constant 0 : i32
    %dma_start3A_88 = tpu.memref_slice %arg5[%dma_start3A_86, %dma_start3A_87] : memref<8x128xi32, #tpu.memory_space<vmem>> -> memref<1x128xi32, #tpu.memory_space<vmem>>
    %dma_start3A_89 = tpu.memref_squeeze %dma_start3A_88 : memref<1x128xi32, #tpu.memory_space<vmem>> -> memref<128xi32, #tpu.memory_space<vmem>>
    %dma_start3A_90 = arith.constant 0 : i32
    %dma_start3A_91 = arith.constant 0 : i32
    %dma_start3A_92 = tpu.memref_slice %arg2[%dma_start3A_90, %dma_start3A_91] : memref<100000x128xf32, #tpu.memory_space<hbm>> -> memref<100000x128xf32, #tpu.memory_space<hbm>>
    tpu.enqueue_indirect_dma source(%dma_start3A_92 : memref<100000x128xf32, #tpu.memory_space<hbm>>) target(%arg9 : memref<128x128xf32, #tpu.memory_space<vmem>>) offsets(%dma_start3A_89 : memref<128xi32, #tpu.memory_space<vmem>>) semaphore(%arg13 : memref<!tpu.dma_semaphore, #tpu.memory_space<semaphore_mem>>)
    %dma_wait3A_93 = arith.constant 4 : i32
    %dma_wait3A_94 = arith.constant 0 : i32
    %dma_wait3A_95 = tpu.memref_slice %arg5[%dma_wait3A_93, %dma_wait3A_94] : memref<8x128xi32, #tpu.memory_space<vmem>> -> memref<1x128xi32, #tpu.memory_space<vmem>>
    %dma_wait3A_96 = tpu.memref_squeeze %dma_wait3A_95 : memref<1x128xi32, #tpu.memory_space<vmem>> -> memref<128xi32, #tpu.memory_space<vmem>>
    %dma_wait3A_97 = arith.constant 0 : i32
    %dma_wait3A_98 = arith.constant 0 : i32
    %dma_wait3A_99 = tpu.memref_slice %arg2[%dma_wait3A_97, %dma_wait3A_98] : memref<100000x128xf32, #tpu.memory_space<hbm>> -> memref<100000x128xf32, #tpu.memory_space<hbm>>
    tpu.wait_indirect_dma semaphore(%arg10 : memref<!tpu.dma_semaphore, #tpu.memory_space<semaphore_mem>>) src(%dma_wait3A_99 : memref<100000x128xf32, #tpu.memory_space<hbm>>) dst(%arg6 : memref<128x128xf32, #tpu.memory_space<vmem>>)
    %add3A_100 = arith.constant 512 : i32
    %add3A_101 = arith.addi %mul3A_2, %add3A_100 : i32
    "tpu.region"() ({
      %run_scoped3A = tpu.sem_alloc : memref<!tpu.dma_semaphore, #tpu.memory_space<semaphore_mem>>
      %dma_start3A_129 = arith.constant 0 : i32
      %dma_start3A_130 = tpu.memref_slice %arg4[%add3A_101, %dma_start3A_129] : memref<32768x128xf32, #tpu.memory_space<hbm>> -> memref<128x128xf32, #tpu.memory_space<hbm>>
      %dma_start3A_131 = arith.constant 0 : i32
      %dma_start3A_132 = tpu.memref_slice %arg4[%add3A_101, %dma_start3A_131] : memref<32768x128xf32, #tpu.memory_space<hbm>> -> memref<128x128xf32, #tpu.memory_space<hbm>>
      tpu.enqueue_dma source(%arg6 : memref<128x128xf32, #tpu.memory_space<vmem>>) target(%dma_start3A_132 : memref<128x128xf32, #tpu.memory_space<hbm>>) target_semaphore(%run_scoped3A : memref<!tpu.dma_semaphore, #tpu.memory_space<semaphore_mem>>)
      %dma_wait3A_133 = arith.constant 0 : i32
      %dma_wait3A_134 = tpu.memref_slice %arg4[%add3A_101, %dma_wait3A_133] : memref<32768x128xf32, #tpu.memory_space<hbm>> -> memref<128x128xf32, #tpu.memory_space<hbm>>
      %dma_wait3A_135 = arith.constant 0 : i32
      %dma_wait3A_136 = tpu.memref_slice %arg4[%add3A_101, %dma_wait3A_135] : memref<32768x128xf32, #tpu.memory_space<hbm>> -> memref<128x128xf32, #tpu.memory_space<hbm>>
      tpu.wait_dma2 semaphore(%run_scoped3A : memref<!tpu.dma_semaphore, #tpu.memory_space<semaphore_mem>>) src(%arg6 : memref<128x128xf32, #tpu.memory_space<vmem>>) dst(%dma_wait3A_136 : memref<128x128xf32, #tpu.memory_space<hbm>>)
      tpu.yield
    }) : () -> ()
    %dma_wait3A_102 = arith.constant 5 : i32
    %dma_wait3A_103 = arith.constant 0 : i32
    %dma_wait3A_104 = tpu.memref_slice %arg5[%dma_wait3A_102, %dma_wait3A_103] : memref<8x128xi32, #tpu.memory_space<vmem>> -> memref<1x128xi32, #tpu.memory_space<vmem>>
    %dma_wait3A_105 = tpu.memref_squeeze %dma_wait3A_104 : memref<1x128xi32, #tpu.memory_space<vmem>> -> memref<128xi32, #tpu.memory_space<vmem>>
    %dma_wait3A_106 = arith.constant 0 : i32
    %dma_wait3A_107 = arith.constant 0 : i32
    %dma_wait3A_108 = tpu.memref_slice %arg2[%dma_wait3A_106, %dma_wait3A_107] : memref<100000x128xf32, #tpu.memory_space<hbm>> -> memref<100000x128xf32, #tpu.memory_space<hbm>>
    tpu.wait_indirect_dma semaphore(%arg11 : memref<!tpu.dma_semaphore, #tpu.memory_space<semaphore_mem>>) src(%dma_wait3A_108 : memref<100000x128xf32, #tpu.memory_space<hbm>>) dst(%arg7 : memref<128x128xf32, #tpu.memory_space<vmem>>)
    %add3A_109 = arith.constant 640 : i32
    %add3A_110 = arith.addi %mul3A_2, %add3A_109 : i32
    "tpu.region"() ({
      %run_scoped3A = tpu.sem_alloc : memref<!tpu.dma_semaphore, #tpu.memory_space<semaphore_mem>>
      %dma_start3A_129 = arith.constant 0 : i32
      %dma_start3A_130 = tpu.memref_slice %arg4[%add3A_110, %dma_start3A_129] : memref<32768x128xf32, #tpu.memory_space<hbm>> -> memref<128x128xf32, #tpu.memory_space<hbm>>
      %dma_start3A_131 = arith.constant 0 : i32
      %dma_start3A_132 = tpu.memref_slice %arg4[%add3A_110, %dma_start3A_131] : memref<32768x128xf32, #tpu.memory_space<hbm>> -> memref<128x128xf32, #tpu.memory_space<hbm>>
      tpu.enqueue_dma source(%arg7 : memref<128x128xf32, #tpu.memory_space<vmem>>) target(%dma_start3A_132 : memref<128x128xf32, #tpu.memory_space<hbm>>) target_semaphore(%run_scoped3A : memref<!tpu.dma_semaphore, #tpu.memory_space<semaphore_mem>>)
      %dma_wait3A_133 = arith.constant 0 : i32
      %dma_wait3A_134 = tpu.memref_slice %arg4[%add3A_110, %dma_wait3A_133] : memref<32768x128xf32, #tpu.memory_space<hbm>> -> memref<128x128xf32, #tpu.memory_space<hbm>>
      %dma_wait3A_135 = arith.constant 0 : i32
      %dma_wait3A_136 = tpu.memref_slice %arg4[%add3A_110, %dma_wait3A_135] : memref<32768x128xf32, #tpu.memory_space<hbm>> -> memref<128x128xf32, #tpu.memory_space<hbm>>
      tpu.wait_dma2 semaphore(%run_scoped3A : memref<!tpu.dma_semaphore, #tpu.memory_space<semaphore_mem>>) src(%arg7 : memref<128x128xf32, #tpu.memory_space<vmem>>) dst(%dma_wait3A_136 : memref<128x128xf32, #tpu.memory_space<hbm>>)
      tpu.yield
    }) : () -> ()
    %dma_wait3A_111 = arith.constant 6 : i32
    %dma_wait3A_112 = arith.constant 0 : i32
    %dma_wait3A_113 = tpu.memref_slice %arg5[%dma_wait3A_111, %dma_wait3A_112] : memref<8x128xi32, #tpu.memory_space<vmem>> -> memref<1x128xi32, #tpu.memory_space<vmem>>
    %dma_wait3A_114 = tpu.memref_squeeze %dma_wait3A_113 : memref<1x128xi32, #tpu.memory_space<vmem>> -> memref<128xi32, #tpu.memory_space<vmem>>
    %dma_wait3A_115 = arith.constant 0 : i32
    %dma_wait3A_116 = arith.constant 0 : i32
    %dma_wait3A_117 = tpu.memref_slice %arg2[%dma_wait3A_115, %dma_wait3A_116] : memref<100000x128xf32, #tpu.memory_space<hbm>> -> memref<100000x128xf32, #tpu.memory_space<hbm>>
    tpu.wait_indirect_dma semaphore(%arg12 : memref<!tpu.dma_semaphore, #tpu.memory_space<semaphore_mem>>) src(%dma_wait3A_117 : memref<100000x128xf32, #tpu.memory_space<hbm>>) dst(%arg8 : memref<128x128xf32, #tpu.memory_space<vmem>>)
    %add3A_118 = arith.constant 768 : i32
    %add3A_119 = arith.addi %mul3A_2, %add3A_118 : i32
    "tpu.region"() ({
      %run_scoped3A = tpu.sem_alloc : memref<!tpu.dma_semaphore, #tpu.memory_space<semaphore_mem>>
      %dma_start3A_129 = arith.constant 0 : i32
      %dma_start3A_130 = tpu.memref_slice %arg4[%add3A_119, %dma_start3A_129] : memref<32768x128xf32, #tpu.memory_space<hbm>> -> memref<128x128xf32, #tpu.memory_space<hbm>>
      %dma_start3A_131 = arith.constant 0 : i32
      %dma_start3A_132 = tpu.memref_slice %arg4[%add3A_119, %dma_start3A_131] : memref<32768x128xf32, #tpu.memory_space<hbm>> -> memref<128x128xf32, #tpu.memory_space<hbm>>
      tpu.enqueue_dma source(%arg8 : memref<128x128xf32, #tpu.memory_space<vmem>>) target(%dma_start3A_132 : memref<128x128xf32, #tpu.memory_space<hbm>>) target_semaphore(%run_scoped3A : memref<!tpu.dma_semaphore, #tpu.memory_space<semaphore_mem>>)
      %dma_wait3A_133 = arith.constant 0 : i32
      %dma_wait3A_134 = tpu.memref_slice %arg4[%add3A_119, %dma_wait3A_133] : memref<32768x128xf32, #tpu.memory_space<hbm>> -> memref<128x128xf32, #tpu.memory_space<hbm>>
      %dma_wait3A_135 = arith.constant 0 : i32
      %dma_wait3A_136 = tpu.memref_slice %arg4[%add3A_119, %dma_wait3A_135] : memref<32768x128xf32, #tpu.memory_space<hbm>> -> memref<128x128xf32, #tpu.memory_space<hbm>>
      tpu.wait_dma2 semaphore(%run_scoped3A : memref<!tpu.dma_semaphore, #tpu.memory_space<semaphore_mem>>) src(%arg8 : memref<128x128xf32, #tpu.memory_space<vmem>>) dst(%dma_wait3A_136 : memref<128x128xf32, #tpu.memory_space<hbm>>)
      tpu.yield
    }) : () -> ()
    %dma_wait3A_120 = arith.constant 7 : i32
    %dma_wait3A_121 = arith.constant 0 : i32
    %dma_wait3A_122 = tpu.memref_slice %arg5[%dma_wait3A_120, %dma_wait3A_121] : memref<8x128xi32, #tpu.memory_space<vmem>> -> memref<1x128xi32, #tpu.memory_space<vmem>>
    %dma_wait3A_123 = tpu.memref_squeeze %dma_wait3A_122 : memref<1x128xi32, #tpu.memory_space<vmem>> -> memref<128xi32, #tpu.memory_space<vmem>>
    %dma_wait3A_124 = arith.constant 0 : i32
    %dma_wait3A_125 = arith.constant 0 : i32
    %dma_wait3A_126 = tpu.memref_slice %arg2[%dma_wait3A_124, %dma_wait3A_125] : memref<100000x128xf32, #tpu.memory_space<hbm>> -> memref<100000x128xf32, #tpu.memory_space<hbm>>
    tpu.wait_indirect_dma semaphore(%arg13 : memref<!tpu.dma_semaphore, #tpu.memory_space<semaphore_mem>>) src(%dma_wait3A_126 : memref<100000x128xf32, #tpu.memory_space<hbm>>) dst(%arg9 : memref<128x128xf32, #tpu.memory_space<vmem>>)
    %add3A_127 = arith.constant 896 : i32
    %add3A_128 = arith.addi %mul3A_2, %add3A_127 : i32
    "tpu.region"() ({
      %run_scoped3A = tpu.sem_alloc : memref<!tpu.dma_semaphore, #tpu.memory_space<semaphore_mem>>
      %dma_start3A_129 = arith.constant 0 : i32
      %dma_start3A_130 = tpu.memref_slice %arg4[%add3A_128, %dma_start3A_129] : memref<32768x128xf32, #tpu.memory_space<hbm>> -> memref<128x128xf32, #tpu.memory_space<hbm>>
      %dma_start3A_131 = arith.constant 0 : i32
      %dma_start3A_132 = tpu.memref_slice %arg4[%add3A_128, %dma_start3A_131] : memref<32768x128xf32, #tpu.memory_space<hbm>> -> memref<128x128xf32, #tpu.memory_space<hbm>>
      tpu.enqueue_dma source(%arg9 : memref<128x128xf32, #tpu.memory_space<vmem>>) target(%dma_start3A_132 : memref<128x128xf32, #tpu.memory_space<hbm>>) target_semaphore(%run_scoped3A : memref<!tpu.dma_semaphore, #tpu.memory_space<semaphore_mem>>)
      %dma_wait3A_133 = arith.constant 0 : i32
      %dma_wait3A_134 = tpu.memref_slice %arg4[%add3A_128, %dma_wait3A_133] : memref<32768x128xf32, #tpu.memory_space<hbm>> -> memref<128x128xf32, #tpu.memory_space<hbm>>
      %dma_wait3A_135 = arith.constant 0 : i32
      %dma_wait3A_136 = tpu.memref_slice %arg4[%add3A_128, %dma_wait3A_135] : memref<32768x128xf32, #tpu.memory_space<hbm>> -> memref<128x128xf32, #tpu.memory_space<hbm>>
      tpu.wait_dma2 semaphore(%run_scoped3A : memref<!tpu.dma_semaphore, #tpu.memory_space<semaphore_mem>>) src(%arg9 : memref<128x128xf32, #tpu.memory_space<vmem>>) dst(%dma_wait3A_136 : memref<128x128xf32, #tpu.memory_space<hbm>>)
      tpu.yield
    }) : () -> ()
    return
  }
}

#map = affine_map<(d0, d1) -> (0, 0)>
#map1 = affine_map<(d0, d1) -> (0, 0, 0)>
module attributes {stable_mosaic.version = 14 : i64} {
  func.func @_sc_compact_body(%arg0: i32, %arg1: i32, %arg2: memref<802816x128xf32, #tpu.memory_space<hbm>>, %arg3: memref<32x10x128xi32, #tpu.memory_space<hbm>>, %arg4: memref<40960x128xf32, #tpu.memory_space<hbm>>, %arg5: memref<10x128xi32, #tpu.memory_space<vmem>>, %arg6: memref<128x128xf32, #tpu.memory_space<vmem>>, %arg7: memref<128x128xf32, #tpu.memory_space<vmem>>, %arg8: memref<128x128xf32, #tpu.memory_space<vmem>>, %arg9: memref<128x128xf32, #tpu.memory_space<vmem>>, %arg10: memref<!tpu.dma_semaphore, #tpu.memory_space<semaphore_mem>>, %arg11: memref<!tpu.dma_semaphore, #tpu.memory_space<semaphore_mem>>, %arg12: memref<!tpu.dma_semaphore, #tpu.memory_space<semaphore_mem>>, %arg13: memref<!tpu.dma_semaphore, #tpu.memory_space<semaphore_mem>>) attributes {dimension_semantics = [#tpu.dimension_semantics<core_parallel>, #tpu.dimension_semantics<subcore_parallel>], iteration_bounds = array<i64: 2, 16>, scalar_prefetch = 0 : i64, scratch_operands = 9 : i64, tpu.core_type = #tpu.core_type<sc_vector_subcore>, window_params = [{transform_indices = #map}, {transform_indices = #map1}, {transform_indices = #map}]} {
    %mul3A = arith.constant 2 : i32
    %mul3A_0 = arith.muli %arg1, %mul3A : i32
    %add3A = arith.addi %mul3A_0, %arg0 : i32
    "tpu.region"() ({
      %run_scoped3A = tpu.sem_alloc : memref<!tpu.dma_semaphore, #tpu.memory_space<semaphore_mem>>
      %dma_start3A_179 = arith.constant 0 : i32
      %dma_start3A_180 = arith.constant 0 : i32
      %dma_start3A_181 = tpu.memref_slice %arg3[%add3A, %dma_start3A_179, %dma_start3A_180] : memref<32x10x128xi32, #tpu.memory_space<hbm>> -> memref<1x10x128xi32, #tpu.memory_space<hbm>>
      %dma_start3A_182 = tpu.memref_squeeze %dma_start3A_181 : memref<1x10x128xi32, #tpu.memory_space<hbm>> -> memref<10x128xi32, #tpu.memory_space<hbm>>
      %dma_start3A_183 = arith.constant 0 : i32
      %dma_start3A_184 = arith.constant 0 : i32
      %dma_start3A_185 = tpu.memref_slice %arg3[%add3A, %dma_start3A_183, %dma_start3A_184] : memref<32x10x128xi32, #tpu.memory_space<hbm>> -> memref<1x10x128xi32, #tpu.memory_space<hbm>>
      %dma_start3A_186 = tpu.memref_squeeze %dma_start3A_185 : memref<1x10x128xi32, #tpu.memory_space<hbm>> -> memref<10x128xi32, #tpu.memory_space<hbm>>
      tpu.enqueue_dma source(%dma_start3A_186 : memref<10x128xi32, #tpu.memory_space<hbm>>) target(%arg5 : memref<10x128xi32, #tpu.memory_space<vmem>>) target_semaphore(%run_scoped3A : memref<!tpu.dma_semaphore, #tpu.memory_space<semaphore_mem>>)
      %dma_wait3A_187 = arith.constant 0 : i32
      %dma_wait3A_188 = arith.constant 0 : i32
      %dma_wait3A_189 = tpu.memref_slice %arg3[%add3A, %dma_wait3A_187, %dma_wait3A_188] : memref<32x10x128xi32, #tpu.memory_space<hbm>> -> memref<1x10x128xi32, #tpu.memory_space<hbm>>
      %dma_wait3A_190 = tpu.memref_squeeze %dma_wait3A_189 : memref<1x10x128xi32, #tpu.memory_space<hbm>> -> memref<10x128xi32, #tpu.memory_space<hbm>>
      %dma_wait3A_191 = arith.constant 0 : i32
      %dma_wait3A_192 = arith.constant 0 : i32
      %dma_wait3A_193 = tpu.memref_slice %arg3[%add3A, %dma_wait3A_191, %dma_wait3A_192] : memref<32x10x128xi32, #tpu.memory_space<hbm>> -> memref<1x10x128xi32, #tpu.memory_space<hbm>>
      %dma_wait3A_194 = tpu.memref_squeeze %dma_wait3A_193 : memref<1x10x128xi32, #tpu.memory_space<hbm>> -> memref<10x128xi32, #tpu.memory_space<hbm>>
      tpu.wait_dma2 semaphore(%run_scoped3A : memref<!tpu.dma_semaphore, #tpu.memory_space<semaphore_mem>>) src(%dma_wait3A_194 : memref<10x128xi32, #tpu.memory_space<hbm>>) dst(%arg5 : memref<10x128xi32, #tpu.memory_space<vmem>>)
      tpu.yield
    }) : () -> ()
    %dma_start3A = arith.constant 0 : i32
    %dma_start3A_1 = arith.constant 0 : i32
    %dma_start3A_2 = tpu.memref_slice %arg5[%dma_start3A, %dma_start3A_1] : memref<10x128xi32, #tpu.memory_space<vmem>> -> memref<1x128xi32, #tpu.memory_space<vmem>>
    %dma_start3A_3 = tpu.memref_squeeze %dma_start3A_2 : memref<1x128xi32, #tpu.memory_space<vmem>> -> memref<128xi32, #tpu.memory_space<vmem>>
    %dma_start3A_4 = arith.constant 0 : i32
    %dma_start3A_5 = arith.constant 0 : i32
    %dma_start3A_6 = tpu.memref_slice %arg2[%dma_start3A_4, %dma_start3A_5] : memref<802816x128xf32, #tpu.memory_space<hbm>> -> memref<802816x128xf32, #tpu.memory_space<hbm>>
    tpu.enqueue_indirect_dma source(%dma_start3A_6 : memref<802816x128xf32, #tpu.memory_space<hbm>>) target(%arg6 : memref<128x128xf32, #tpu.memory_space<vmem>>) offsets(%dma_start3A_3 : memref<128xi32, #tpu.memory_space<vmem>>) semaphore(%arg10 : memref<!tpu.dma_semaphore, #tpu.memory_space<semaphore_mem>>)
    %dma_start3A_7 = arith.constant 1 : i32
    %dma_start3A_8 = arith.constant 0 : i32
    %dma_start3A_9 = tpu.memref_slice %arg5[%dma_start3A_7, %dma_start3A_8] : memref<10x128xi32, #tpu.memory_space<vmem>> -> memref<1x128xi32, #tpu.memory_space<vmem>>
    %dma_start3A_10 = tpu.memref_squeeze %dma_start3A_9 : memref<1x128xi32, #tpu.memory_space<vmem>> -> memref<128xi32, #tpu.memory_space<vmem>>
    %dma_start3A_11 = arith.constant 0 : i32
    %dma_start3A_12 = arith.constant 0 : i32
    %dma_start3A_13 = tpu.memref_slice %arg2[%dma_start3A_11, %dma_start3A_12] : memref<802816x128xf32, #tpu.memory_space<hbm>> -> memref<802816x128xf32, #tpu.memory_space<hbm>>
    tpu.enqueue_indirect_dma source(%dma_start3A_13 : memref<802816x128xf32, #tpu.memory_space<hbm>>) target(%arg7 : memref<128x128xf32, #tpu.memory_space<vmem>>) offsets(%dma_start3A_10 : memref<128xi32, #tpu.memory_space<vmem>>) semaphore(%arg11 : memref<!tpu.dma_semaphore, #tpu.memory_space<semaphore_mem>>)
    %dma_start3A_14 = arith.constant 2 : i32
    %dma_start3A_15 = arith.constant 0 : i32
    %dma_start3A_16 = tpu.memref_slice %arg5[%dma_start3A_14, %dma_start3A_15] : memref<10x128xi32, #tpu.memory_space<vmem>> -> memref<1x128xi32, #tpu.memory_space<vmem>>
    %dma_start3A_17 = tpu.memref_squeeze %dma_start3A_16 : memref<1x128xi32, #tpu.memory_space<vmem>> -> memref<128xi32, #tpu.memory_space<vmem>>
    %dma_start3A_18 = arith.constant 0 : i32
    %dma_start3A_19 = arith.constant 0 : i32
    %dma_start3A_20 = tpu.memref_slice %arg2[%dma_start3A_18, %dma_start3A_19] : memref<802816x128xf32, #tpu.memory_space<hbm>> -> memref<802816x128xf32, #tpu.memory_space<hbm>>
    tpu.enqueue_indirect_dma source(%dma_start3A_20 : memref<802816x128xf32, #tpu.memory_space<hbm>>) target(%arg8 : memref<128x128xf32, #tpu.memory_space<vmem>>) offsets(%dma_start3A_17 : memref<128xi32, #tpu.memory_space<vmem>>) semaphore(%arg12 : memref<!tpu.dma_semaphore, #tpu.memory_space<semaphore_mem>>)
    %dma_start3A_21 = arith.constant 3 : i32
    %dma_start3A_22 = arith.constant 0 : i32
    %dma_start3A_23 = tpu.memref_slice %arg5[%dma_start3A_21, %dma_start3A_22] : memref<10x128xi32, #tpu.memory_space<vmem>> -> memref<1x128xi32, #tpu.memory_space<vmem>>
    %dma_start3A_24 = tpu.memref_squeeze %dma_start3A_23 : memref<1x128xi32, #tpu.memory_space<vmem>> -> memref<128xi32, #tpu.memory_space<vmem>>
    %dma_start3A_25 = arith.constant 0 : i32
    %dma_start3A_26 = arith.constant 0 : i32
    %dma_start3A_27 = tpu.memref_slice %arg2[%dma_start3A_25, %dma_start3A_26] : memref<802816x128xf32, #tpu.memory_space<hbm>> -> memref<802816x128xf32, #tpu.memory_space<hbm>>
    tpu.enqueue_indirect_dma source(%dma_start3A_27 : memref<802816x128xf32, #tpu.memory_space<hbm>>) target(%arg9 : memref<128x128xf32, #tpu.memory_space<vmem>>) offsets(%dma_start3A_24 : memref<128xi32, #tpu.memory_space<vmem>>) semaphore(%arg13 : memref<!tpu.dma_semaphore, #tpu.memory_space<semaphore_mem>>)
    %dma_wait3A = arith.constant 0 : i32
    %dma_wait3A_28 = arith.constant 0 : i32
    %dma_wait3A_29 = tpu.memref_slice %arg5[%dma_wait3A, %dma_wait3A_28] : memref<10x128xi32, #tpu.memory_space<vmem>> -> memref<1x128xi32, #tpu.memory_space<vmem>>
    %dma_wait3A_30 = tpu.memref_squeeze %dma_wait3A_29 : memref<1x128xi32, #tpu.memory_space<vmem>> -> memref<128xi32, #tpu.memory_space<vmem>>
    %dma_wait3A_31 = arith.constant 0 : i32
    %dma_wait3A_32 = arith.constant 0 : i32
    %dma_wait3A_33 = tpu.memref_slice %arg2[%dma_wait3A_31, %dma_wait3A_32] : memref<802816x128xf32, #tpu.memory_space<hbm>> -> memref<802816x128xf32, #tpu.memory_space<hbm>>
    tpu.wait_indirect_dma semaphore(%arg10 : memref<!tpu.dma_semaphore, #tpu.memory_space<semaphore_mem>>) src(%dma_wait3A_33 : memref<802816x128xf32, #tpu.memory_space<hbm>>) dst(%arg6 : memref<128x128xf32, #tpu.memory_space<vmem>>)
    %mul3A_34 = arith.constant 1280 : i32
    %mul3A_35 = arith.muli %add3A, %mul3A_34 : i32
    %add3A_36 = arith.constant 0 : i32
    %add3A_37 = arith.addi %mul3A_35, %add3A_36 : i32
    "tpu.region"() ({
      %run_scoped3A = tpu.sem_alloc : memref<!tpu.dma_semaphore, #tpu.memory_space<semaphore_mem>>
      %dma_start3A_179 = arith.constant 0 : i32
      %dma_start3A_180 = tpu.memref_slice %arg4[%add3A_37, %dma_start3A_179] : memref<40960x128xf32, #tpu.memory_space<hbm>> -> memref<128x128xf32, #tpu.memory_space<hbm>>
      %dma_start3A_181 = arith.constant 0 : i32
      %dma_start3A_182 = tpu.memref_slice %arg4[%add3A_37, %dma_start3A_181] : memref<40960x128xf32, #tpu.memory_space<hbm>> -> memref<128x128xf32, #tpu.memory_space<hbm>>
      tpu.enqueue_dma source(%arg6 : memref<128x128xf32, #tpu.memory_space<vmem>>) target(%dma_start3A_182 : memref<128x128xf32, #tpu.memory_space<hbm>>) target_semaphore(%run_scoped3A : memref<!tpu.dma_semaphore, #tpu.memory_space<semaphore_mem>>)
      %dma_wait3A_183 = arith.constant 0 : i32
      %dma_wait3A_184 = tpu.memref_slice %arg4[%add3A_37, %dma_wait3A_183] : memref<40960x128xf32, #tpu.memory_space<hbm>> -> memref<128x128xf32, #tpu.memory_space<hbm>>
      %dma_wait3A_185 = arith.constant 0 : i32
      %dma_wait3A_186 = tpu.memref_slice %arg4[%add3A_37, %dma_wait3A_185] : memref<40960x128xf32, #tpu.memory_space<hbm>> -> memref<128x128xf32, #tpu.memory_space<hbm>>
      tpu.wait_dma2 semaphore(%run_scoped3A : memref<!tpu.dma_semaphore, #tpu.memory_space<semaphore_mem>>) src(%arg6 : memref<128x128xf32, #tpu.memory_space<vmem>>) dst(%dma_wait3A_186 : memref<128x128xf32, #tpu.memory_space<hbm>>)
      tpu.yield
    }) : () -> ()
    %dma_start3A_38 = arith.constant 4 : i32
    %dma_start3A_39 = arith.constant 0 : i32
    %dma_start3A_40 = tpu.memref_slice %arg5[%dma_start3A_38, %dma_start3A_39] : memref<10x128xi32, #tpu.memory_space<vmem>> -> memref<1x128xi32, #tpu.memory_space<vmem>>
    %dma_start3A_41 = tpu.memref_squeeze %dma_start3A_40 : memref<1x128xi32, #tpu.memory_space<vmem>> -> memref<128xi32, #tpu.memory_space<vmem>>
    %dma_start3A_42 = arith.constant 0 : i32
    %dma_start3A_43 = arith.constant 0 : i32
    %dma_start3A_44 = tpu.memref_slice %arg2[%dma_start3A_42, %dma_start3A_43] : memref<802816x128xf32, #tpu.memory_space<hbm>> -> memref<802816x128xf32, #tpu.memory_space<hbm>>
    tpu.enqueue_indirect_dma source(%dma_start3A_44 : memref<802816x128xf32, #tpu.memory_space<hbm>>) target(%arg6 : memref<128x128xf32, #tpu.memory_space<vmem>>) offsets(%dma_start3A_41 : memref<128xi32, #tpu.memory_space<vmem>>) semaphore(%arg10 : memref<!tpu.dma_semaphore, #tpu.memory_space<semaphore_mem>>)
    %dma_wait3A_45 = arith.constant 1 : i32
    %dma_wait3A_46 = arith.constant 0 : i32
    %dma_wait3A_47 = tpu.memref_slice %arg5[%dma_wait3A_45, %dma_wait3A_46] : memref<10x128xi32, #tpu.memory_space<vmem>> -> memref<1x128xi32, #tpu.memory_space<vmem>>
    %dma_wait3A_48 = tpu.memref_squeeze %dma_wait3A_47 : memref<1x128xi32, #tpu.memory_space<vmem>> -> memref<128xi32, #tpu.memory_space<vmem>>
    %dma_wait3A_49 = arith.constant 0 : i32
    %dma_wait3A_50 = arith.constant 0 : i32
    %dma_wait3A_51 = tpu.memref_slice %arg2[%dma_wait3A_49, %dma_wait3A_50] : memref<802816x128xf32, #tpu.memory_space<hbm>> -> memref<802816x128xf32, #tpu.memory_space<hbm>>
    tpu.wait_indirect_dma semaphore(%arg11 : memref<!tpu.dma_semaphore, #tpu.memory_space<semaphore_mem>>) src(%dma_wait3A_51 : memref<802816x128xf32, #tpu.memory_space<hbm>>) dst(%arg7 : memref<128x128xf32, #tpu.memory_space<vmem>>)
    %mul3A_52 = arith.constant 1280 : i32
    %mul3A_53 = arith.muli %add3A, %mul3A_52 : i32
    %add3A_54 = arith.constant 128 : i32
    %add3A_55 = arith.addi %mul3A_53, %add3A_54 : i32
    "tpu.region"() ({
      %run_scoped3A = tpu.sem_alloc : memref<!tpu.dma_semaphore, #tpu.memory_space<semaphore_mem>>
      %dma_start3A_179 = arith.constant 0 : i32
      %dma_start3A_180 = tpu.memref_slice %arg4[%add3A_55, %dma_start3A_179] : memref<40960x128xf32, #tpu.memory_space<hbm>> -> memref<128x128xf32, #tpu.memory_space<hbm>>
      %dma_start3A_181 = arith.constant 0 : i32
      %dma_start3A_182 = tpu.memref_slice %arg4[%add3A_55, %dma_start3A_181] : memref<40960x128xf32, #tpu.memory_space<hbm>> -> memref<128x128xf32, #tpu.memory_space<hbm>>
      tpu.enqueue_dma source(%arg7 : memref<128x128xf32, #tpu.memory_space<vmem>>) target(%dma_start3A_182 : memref<128x128xf32, #tpu.memory_space<hbm>>) target_semaphore(%run_scoped3A : memref<!tpu.dma_semaphore, #tpu.memory_space<semaphore_mem>>)
      %dma_wait3A_183 = arith.constant 0 : i32
      %dma_wait3A_184 = tpu.memref_slice %arg4[%add3A_55, %dma_wait3A_183] : memref<40960x128xf32, #tpu.memory_space<hbm>> -> memref<128x128xf32, #tpu.memory_space<hbm>>
      %dma_wait3A_185 = arith.constant 0 : i32
      %dma_wait3A_186 = tpu.memref_slice %arg4[%add3A_55, %dma_wait3A_185] : memref<40960x128xf32, #tpu.memory_space<hbm>> -> memref<128x128xf32, #tpu.memory_space<hbm>>
      tpu.wait_dma2 semaphore(%run_scoped3A : memref<!tpu.dma_semaphore, #tpu.memory_space<semaphore_mem>>) src(%arg7 : memref<128x128xf32, #tpu.memory_space<vmem>>) dst(%dma_wait3A_186 : memref<128x128xf32, #tpu.memory_space<hbm>>)
      tpu.yield
    }) : () -> ()
    %dma_start3A_56 = arith.constant 5 : i32
    %dma_start3A_57 = arith.constant 0 : i32
    %dma_start3A_58 = tpu.memref_slice %arg5[%dma_start3A_56, %dma_start3A_57] : memref<10x128xi32, #tpu.memory_space<vmem>> -> memref<1x128xi32, #tpu.memory_space<vmem>>
    %dma_start3A_59 = tpu.memref_squeeze %dma_start3A_58 : memref<1x128xi32, #tpu.memory_space<vmem>> -> memref<128xi32, #tpu.memory_space<vmem>>
    %dma_start3A_60 = arith.constant 0 : i32
    %dma_start3A_61 = arith.constant 0 : i32
    %dma_start3A_62 = tpu.memref_slice %arg2[%dma_start3A_60, %dma_start3A_61] : memref<802816x128xf32, #tpu.memory_space<hbm>> -> memref<802816x128xf32, #tpu.memory_space<hbm>>
    tpu.enqueue_indirect_dma source(%dma_start3A_62 : memref<802816x128xf32, #tpu.memory_space<hbm>>) target(%arg7 : memref<128x128xf32, #tpu.memory_space<vmem>>) offsets(%dma_start3A_59 : memref<128xi32, #tpu.memory_space<vmem>>) semaphore(%arg11 : memref<!tpu.dma_semaphore, #tpu.memory_space<semaphore_mem>>)
    %dma_wait3A_63 = arith.constant 2 : i32
    %dma_wait3A_64 = arith.constant 0 : i32
    %dma_wait3A_65 = tpu.memref_slice %arg5[%dma_wait3A_63, %dma_wait3A_64] : memref<10x128xi32, #tpu.memory_space<vmem>> -> memref<1x128xi32, #tpu.memory_space<vmem>>
    %dma_wait3A_66 = tpu.memref_squeeze %dma_wait3A_65 : memref<1x128xi32, #tpu.memory_space<vmem>> -> memref<128xi32, #tpu.memory_space<vmem>>
    %dma_wait3A_67 = arith.constant 0 : i32
    %dma_wait3A_68 = arith.constant 0 : i32
    %dma_wait3A_69 = tpu.memref_slice %arg2[%dma_wait3A_67, %dma_wait3A_68] : memref<802816x128xf32, #tpu.memory_space<hbm>> -> memref<802816x128xf32, #tpu.memory_space<hbm>>
    tpu.wait_indirect_dma semaphore(%arg12 : memref<!tpu.dma_semaphore, #tpu.memory_space<semaphore_mem>>) src(%dma_wait3A_69 : memref<802816x128xf32, #tpu.memory_space<hbm>>) dst(%arg8 : memref<128x128xf32, #tpu.memory_space<vmem>>)
    %mul3A_70 = arith.constant 1280 : i32
    %mul3A_71 = arith.muli %add3A, %mul3A_70 : i32
    %add3A_72 = arith.constant 256 : i32
    %add3A_73 = arith.addi %mul3A_71, %add3A_72 : i32
    "tpu.region"() ({
      %run_scoped3A = tpu.sem_alloc : memref<!tpu.dma_semaphore, #tpu.memory_space<semaphore_mem>>
      %dma_start3A_179 = arith.constant 0 : i32
      %dma_start3A_180 = tpu.memref_slice %arg4[%add3A_73, %dma_start3A_179] : memref<40960x128xf32, #tpu.memory_space<hbm>> -> memref<128x128xf32, #tpu.memory_space<hbm>>
      %dma_start3A_181 = arith.constant 0 : i32
      %dma_start3A_182 = tpu.memref_slice %arg4[%add3A_73, %dma_start3A_181] : memref<40960x128xf32, #tpu.memory_space<hbm>> -> memref<128x128xf32, #tpu.memory_space<hbm>>
      tpu.enqueue_dma source(%arg8 : memref<128x128xf32, #tpu.memory_space<vmem>>) target(%dma_start3A_182 : memref<128x128xf32, #tpu.memory_space<hbm>>) target_semaphore(%run_scoped3A : memref<!tpu.dma_semaphore, #tpu.memory_space<semaphore_mem>>)
      %dma_wait3A_183 = arith.constant 0 : i32
      %dma_wait3A_184 = tpu.memref_slice %arg4[%add3A_73, %dma_wait3A_183] : memref<40960x128xf32, #tpu.memory_space<hbm>> -> memref<128x128xf32, #tpu.memory_space<hbm>>
      %dma_wait3A_185 = arith.constant 0 : i32
      %dma_wait3A_186 = tpu.memref_slice %arg4[%add3A_73, %dma_wait3A_185] : memref<40960x128xf32, #tpu.memory_space<hbm>> -> memref<128x128xf32, #tpu.memory_space<hbm>>
      tpu.wait_dma2 semaphore(%run_scoped3A : memref<!tpu.dma_semaphore, #tpu.memory_space<semaphore_mem>>) src(%arg8 : memref<128x128xf32, #tpu.memory_space<vmem>>) dst(%dma_wait3A_186 : memref<128x128xf32, #tpu.memory_space<hbm>>)
      tpu.yield
    }) : () -> ()
    %dma_start3A_74 = arith.constant 6 : i32
    %dma_start3A_75 = arith.constant 0 : i32
    %dma_start3A_76 = tpu.memref_slice %arg5[%dma_start3A_74, %dma_start3A_75] : memref<10x128xi32, #tpu.memory_space<vmem>> -> memref<1x128xi32, #tpu.memory_space<vmem>>
    %dma_start3A_77 = tpu.memref_squeeze %dma_start3A_76 : memref<1x128xi32, #tpu.memory_space<vmem>> -> memref<128xi32, #tpu.memory_space<vmem>>
    %dma_start3A_78 = arith.constant 0 : i32
    %dma_start3A_79 = arith.constant 0 : i32
    %dma_start3A_80 = tpu.memref_slice %arg2[%dma_start3A_78, %dma_start3A_79] : memref<802816x128xf32, #tpu.memory_space<hbm>> -> memref<802816x128xf32, #tpu.memory_space<hbm>>
    tpu.enqueue_indirect_dma source(%dma_start3A_80 : memref<802816x128xf32, #tpu.memory_space<hbm>>) target(%arg8 : memref<128x128xf32, #tpu.memory_space<vmem>>) offsets(%dma_start3A_77 : memref<128xi32, #tpu.memory_space<vmem>>) semaphore(%arg12 : memref<!tpu.dma_semaphore, #tpu.memory_space<semaphore_mem>>)
    %dma_wait3A_81 = arith.constant 3 : i32
    %dma_wait3A_82 = arith.constant 0 : i32
    %dma_wait3A_83 = tpu.memref_slice %arg5[%dma_wait3A_81, %dma_wait3A_82] : memref<10x128xi32, #tpu.memory_space<vmem>> -> memref<1x128xi32, #tpu.memory_space<vmem>>
    %dma_wait3A_84 = tpu.memref_squeeze %dma_wait3A_83 : memref<1x128xi32, #tpu.memory_space<vmem>> -> memref<128xi32, #tpu.memory_space<vmem>>
    %dma_wait3A_85 = arith.constant 0 : i32
    %dma_wait3A_86 = arith.constant 0 : i32
    %dma_wait3A_87 = tpu.memref_slice %arg2[%dma_wait3A_85, %dma_wait3A_86] : memref<802816x128xf32, #tpu.memory_space<hbm>> -> memref<802816x128xf32, #tpu.memory_space<hbm>>
    tpu.wait_indirect_dma semaphore(%arg13 : memref<!tpu.dma_semaphore, #tpu.memory_space<semaphore_mem>>) src(%dma_wait3A_87 : memref<802816x128xf32, #tpu.memory_space<hbm>>) dst(%arg9 : memref<128x128xf32, #tpu.memory_space<vmem>>)
    %mul3A_88 = arith.constant 1280 : i32
    %mul3A_89 = arith.muli %add3A, %mul3A_88 : i32
    %add3A_90 = arith.constant 384 : i32
    %add3A_91 = arith.addi %mul3A_89, %add3A_90 : i32
    "tpu.region"() ({
      %run_scoped3A = tpu.sem_alloc : memref<!tpu.dma_semaphore, #tpu.memory_space<semaphore_mem>>
      %dma_start3A_179 = arith.constant 0 : i32
      %dma_start3A_180 = tpu.memref_slice %arg4[%add3A_91, %dma_start3A_179] : memref<40960x128xf32, #tpu.memory_space<hbm>> -> memref<128x128xf32, #tpu.memory_space<hbm>>
      %dma_start3A_181 = arith.constant 0 : i32
      %dma_start3A_182 = tpu.memref_slice %arg4[%add3A_91, %dma_start3A_181] : memref<40960x128xf32, #tpu.memory_space<hbm>> -> memref<128x128xf32, #tpu.memory_space<hbm>>
      tpu.enqueue_dma source(%arg9 : memref<128x128xf32, #tpu.memory_space<vmem>>) target(%dma_start3A_182 : memref<128x128xf32, #tpu.memory_space<hbm>>) target_semaphore(%run_scoped3A : memref<!tpu.dma_semaphore, #tpu.memory_space<semaphore_mem>>)
      %dma_wait3A_183 = arith.constant 0 : i32
      %dma_wait3A_184 = tpu.memref_slice %arg4[%add3A_91, %dma_wait3A_183] : memref<40960x128xf32, #tpu.memory_space<hbm>> -> memref<128x128xf32, #tpu.memory_space<hbm>>
      %dma_wait3A_185 = arith.constant 0 : i32
      %dma_wait3A_186 = tpu.memref_slice %arg4[%add3A_91, %dma_wait3A_185] : memref<40960x128xf32, #tpu.memory_space<hbm>> -> memref<128x128xf32, #tpu.memory_space<hbm>>
      tpu.wait_dma2 semaphore(%run_scoped3A : memref<!tpu.dma_semaphore, #tpu.memory_space<semaphore_mem>>) src(%arg9 : memref<128x128xf32, #tpu.memory_space<vmem>>) dst(%dma_wait3A_186 : memref<128x128xf32, #tpu.memory_space<hbm>>)
      tpu.yield
    }) : () -> ()
    %dma_start3A_92 = arith.constant 7 : i32
    %dma_start3A_93 = arith.constant 0 : i32
    %dma_start3A_94 = tpu.memref_slice %arg5[%dma_start3A_92, %dma_start3A_93] : memref<10x128xi32, #tpu.memory_space<vmem>> -> memref<1x128xi32, #tpu.memory_space<vmem>>
    %dma_start3A_95 = tpu.memref_squeeze %dma_start3A_94 : memref<1x128xi32, #tpu.memory_space<vmem>> -> memref<128xi32, #tpu.memory_space<vmem>>
    %dma_start3A_96 = arith.constant 0 : i32
    %dma_start3A_97 = arith.constant 0 : i32
    %dma_start3A_98 = tpu.memref_slice %arg2[%dma_start3A_96, %dma_start3A_97] : memref<802816x128xf32, #tpu.memory_space<hbm>> -> memref<802816x128xf32, #tpu.memory_space<hbm>>
    tpu.enqueue_indirect_dma source(%dma_start3A_98 : memref<802816x128xf32, #tpu.memory_space<hbm>>) target(%arg9 : memref<128x128xf32, #tpu.memory_space<vmem>>) offsets(%dma_start3A_95 : memref<128xi32, #tpu.memory_space<vmem>>) semaphore(%arg13 : memref<!tpu.dma_semaphore, #tpu.memory_space<semaphore_mem>>)
    %dma_wait3A_99 = arith.constant 4 : i32
    %dma_wait3A_100 = arith.constant 0 : i32
    %dma_wait3A_101 = tpu.memref_slice %arg5[%dma_wait3A_99, %dma_wait3A_100] : memref<10x128xi32, #tpu.memory_space<vmem>> -> memref<1x128xi32, #tpu.memory_space<vmem>>
    %dma_wait3A_102 = tpu.memref_squeeze %dma_wait3A_101 : memref<1x128xi32, #tpu.memory_space<vmem>> -> memref<128xi32, #tpu.memory_space<vmem>>
    %dma_wait3A_103 = arith.constant 0 : i32
    %dma_wait3A_104 = arith.constant 0 : i32
    %dma_wait3A_105 = tpu.memref_slice %arg2[%dma_wait3A_103, %dma_wait3A_104] : memref<802816x128xf32, #tpu.memory_space<hbm>> -> memref<802816x128xf32, #tpu.memory_space<hbm>>
    tpu.wait_indirect_dma semaphore(%arg10 : memref<!tpu.dma_semaphore, #tpu.memory_space<semaphore_mem>>) src(%dma_wait3A_105 : memref<802816x128xf32, #tpu.memory_space<hbm>>) dst(%arg6 : memref<128x128xf32, #tpu.memory_space<vmem>>)
    %mul3A_106 = arith.constant 1280 : i32
    %mul3A_107 = arith.muli %add3A, %mul3A_106 : i32
    %add3A_108 = arith.constant 512 : i32
    %add3A_109 = arith.addi %mul3A_107, %add3A_108 : i32
    "tpu.region"() ({
      %run_scoped3A = tpu.sem_alloc : memref<!tpu.dma_semaphore, #tpu.memory_space<semaphore_mem>>
      %dma_start3A_179 = arith.constant 0 : i32
      %dma_start3A_180 = tpu.memref_slice %arg4[%add3A_109, %dma_start3A_179] : memref<40960x128xf32, #tpu.memory_space<hbm>> -> memref<128x128xf32, #tpu.memory_space<hbm>>
      %dma_start3A_181 = arith.constant 0 : i32
      %dma_start3A_182 = tpu.memref_slice %arg4[%add3A_109, %dma_start3A_181] : memref<40960x128xf32, #tpu.memory_space<hbm>> -> memref<128x128xf32, #tpu.memory_space<hbm>>
      tpu.enqueue_dma source(%arg6 : memref<128x128xf32, #tpu.memory_space<vmem>>) target(%dma_start3A_182 : memref<128x128xf32, #tpu.memory_space<hbm>>) target_semaphore(%run_scoped3A : memref<!tpu.dma_semaphore, #tpu.memory_space<semaphore_mem>>)
      %dma_wait3A_183 = arith.constant 0 : i32
      %dma_wait3A_184 = tpu.memref_slice %arg4[%add3A_109, %dma_wait3A_183] : memref<40960x128xf32, #tpu.memory_space<hbm>> -> memref<128x128xf32, #tpu.memory_space<hbm>>
      %dma_wait3A_185 = arith.constant 0 : i32
      %dma_wait3A_186 = tpu.memref_slice %arg4[%add3A_109, %dma_wait3A_185] : memref<40960x128xf32, #tpu.memory_space<hbm>> -> memref<128x128xf32, #tpu.memory_space<hbm>>
      tpu.wait_dma2 semaphore(%run_scoped3A : memref<!tpu.dma_semaphore, #tpu.memory_space<semaphore_mem>>) src(%arg6 : memref<128x128xf32, #tpu.memory_space<vmem>>) dst(%dma_wait3A_186 : memref<128x128xf32, #tpu.memory_space<hbm>>)
      tpu.yield
    }) : () -> ()
    %dma_start3A_110 = arith.constant 8 : i32
    %dma_start3A_111 = arith.constant 0 : i32
    %dma_start3A_112 = tpu.memref_slice %arg5[%dma_start3A_110, %dma_start3A_111] : memref<10x128xi32, #tpu.memory_space<vmem>> -> memref<1x128xi32, #tpu.memory_space<vmem>>
    %dma_start3A_113 = tpu.memref_squeeze %dma_start3A_112 : memref<1x128xi32, #tpu.memory_space<vmem>> -> memref<128xi32, #tpu.memory_space<vmem>>
    %dma_start3A_114 = arith.constant 0 : i32
    %dma_start3A_115 = arith.constant 0 : i32
    %dma_start3A_116 = tpu.memref_slice %arg2[%dma_start3A_114, %dma_start3A_115] : memref<802816x128xf32, #tpu.memory_space<hbm>> -> memref<802816x128xf32, #tpu.memory_space<hbm>>
    tpu.enqueue_indirect_dma source(%dma_start3A_116 : memref<802816x128xf32, #tpu.memory_space<hbm>>) target(%arg6 : memref<128x128xf32, #tpu.memory_space<vmem>>) offsets(%dma_start3A_113 : memref<128xi32, #tpu.memory_space<vmem>>) semaphore(%arg10 : memref<!tpu.dma_semaphore, #tpu.memory_space<semaphore_mem>>)
    %dma_wait3A_117 = arith.constant 5 : i32
    %dma_wait3A_118 = arith.constant 0 : i32
    %dma_wait3A_119 = tpu.memref_slice %arg5[%dma_wait3A_117, %dma_wait3A_118] : memref<10x128xi32, #tpu.memory_space<vmem>> -> memref<1x128xi32, #tpu.memory_space<vmem>>
    %dma_wait3A_120 = tpu.memref_squeeze %dma_wait3A_119 : memref<1x128xi32, #tpu.memory_space<vmem>> -> memref<128xi32, #tpu.memory_space<vmem>>
    %dma_wait3A_121 = arith.constant 0 : i32
    %dma_wait3A_122 = arith.constant 0 : i32
    %dma_wait3A_123 = tpu.memref_slice %arg2[%dma_wait3A_121, %dma_wait3A_122] : memref<802816x128xf32, #tpu.memory_space<hbm>> -> memref<802816x128xf32, #tpu.memory_space<hbm>>
    tpu.wait_indirect_dma semaphore(%arg11 : memref<!tpu.dma_semaphore, #tpu.memory_space<semaphore_mem>>) src(%dma_wait3A_123 : memref<802816x128xf32, #tpu.memory_space<hbm>>) dst(%arg7 : memref<128x128xf32, #tpu.memory_space<vmem>>)
    %mul3A_124 = arith.constant 1280 : i32
    %mul3A_125 = arith.muli %add3A, %mul3A_124 : i32
    %add3A_126 = arith.constant 640 : i32
    %add3A_127 = arith.addi %mul3A_125, %add3A_126 : i32
    "tpu.region"() ({
      %run_scoped3A = tpu.sem_alloc : memref<!tpu.dma_semaphore, #tpu.memory_space<semaphore_mem>>
      %dma_start3A_179 = arith.constant 0 : i32
      %dma_start3A_180 = tpu.memref_slice %arg4[%add3A_127, %dma_start3A_179] : memref<40960x128xf32, #tpu.memory_space<hbm>> -> memref<128x128xf32, #tpu.memory_space<hbm>>
      %dma_start3A_181 = arith.constant 0 : i32
      %dma_start3A_182 = tpu.memref_slice %arg4[%add3A_127, %dma_start3A_181] : memref<40960x128xf32, #tpu.memory_space<hbm>> -> memref<128x128xf32, #tpu.memory_space<hbm>>
      tpu.enqueue_dma source(%arg7 : memref<128x128xf32, #tpu.memory_space<vmem>>) target(%dma_start3A_182 : memref<128x128xf32, #tpu.memory_space<hbm>>) target_semaphore(%run_scoped3A : memref<!tpu.dma_semaphore, #tpu.memory_space<semaphore_mem>>)
      %dma_wait3A_183 = arith.constant 0 : i32
      %dma_wait3A_184 = tpu.memref_slice %arg4[%add3A_127, %dma_wait3A_183] : memref<40960x128xf32, #tpu.memory_space<hbm>> -> memref<128x128xf32, #tpu.memory_space<hbm>>
      %dma_wait3A_185 = arith.constant 0 : i32
      %dma_wait3A_186 = tpu.memref_slice %arg4[%add3A_127, %dma_wait3A_185] : memref<40960x128xf32, #tpu.memory_space<hbm>> -> memref<128x128xf32, #tpu.memory_space<hbm>>
      tpu.wait_dma2 semaphore(%run_scoped3A : memref<!tpu.dma_semaphore, #tpu.memory_space<semaphore_mem>>) src(%arg7 : memref<128x128xf32, #tpu.memory_space<vmem>>) dst(%dma_wait3A_186 : memref<128x128xf32, #tpu.memory_space<hbm>>)
      tpu.yield
    }) : () -> ()
    %dma_start3A_128 = arith.constant 9 : i32
    %dma_start3A_129 = arith.constant 0 : i32
    %dma_start3A_130 = tpu.memref_slice %arg5[%dma_start3A_128, %dma_start3A_129] : memref<10x128xi32, #tpu.memory_space<vmem>> -> memref<1x128xi32, #tpu.memory_space<vmem>>
    %dma_start3A_131 = tpu.memref_squeeze %dma_start3A_130 : memref<1x128xi32, #tpu.memory_space<vmem>> -> memref<128xi32, #tpu.memory_space<vmem>>
    %dma_start3A_132 = arith.constant 0 : i32
    %dma_start3A_133 = arith.constant 0 : i32
    %dma_start3A_134 = tpu.memref_slice %arg2[%dma_start3A_132, %dma_start3A_133] : memref<802816x128xf32, #tpu.memory_space<hbm>> -> memref<802816x128xf32, #tpu.memory_space<hbm>>
    tpu.enqueue_indirect_dma source(%dma_start3A_134 : memref<802816x128xf32, #tpu.memory_space<hbm>>) target(%arg7 : memref<128x128xf32, #tpu.memory_space<vmem>>) offsets(%dma_start3A_131 : memref<128xi32, #tpu.memory_space<vmem>>) semaphore(%arg11 : memref<!tpu.dma_semaphore, #tpu.memory_space<semaphore_mem>>)
    %dma_wait3A_135 = arith.constant 6 : i32
    %dma_wait3A_136 = arith.constant 0 : i32
    %dma_wait3A_137 = tpu.memref_slice %arg5[%dma_wait3A_135, %dma_wait3A_136] : memref<10x128xi32, #tpu.memory_space<vmem>> -> memref<1x128xi32, #tpu.memory_space<vmem>>
    %dma_wait3A_138 = tpu.memref_squeeze %dma_wait3A_137 : memref<1x128xi32, #tpu.memory_space<vmem>> -> memref<128xi32, #tpu.memory_space<vmem>>
    %dma_wait3A_139 = arith.constant 0 : i32
    %dma_wait3A_140 = arith.constant 0 : i32
    %dma_wait3A_141 = tpu.memref_slice %arg2[%dma_wait3A_139, %dma_wait3A_140] : memref<802816x128xf32, #tpu.memory_space<hbm>> -> memref<802816x128xf32, #tpu.memory_space<hbm>>
    tpu.wait_indirect_dma semaphore(%arg12 : memref<!tpu.dma_semaphore, #tpu.memory_space<semaphore_mem>>) src(%dma_wait3A_141 : memref<802816x128xf32, #tpu.memory_space<hbm>>) dst(%arg8 : memref<128x128xf32, #tpu.memory_space<vmem>>)
    %mul3A_142 = arith.constant 1280 : i32
    %mul3A_143 = arith.muli %add3A, %mul3A_142 : i32
    %add3A_144 = arith.constant 768 : i32
    %add3A_145 = arith.addi %mul3A_143, %add3A_144 : i32
    "tpu.region"() ({
      %run_scoped3A = tpu.sem_alloc : memref<!tpu.dma_semaphore, #tpu.memory_space<semaphore_mem>>
      %dma_start3A_179 = arith.constant 0 : i32
      %dma_start3A_180 = tpu.memref_slice %arg4[%add3A_145, %dma_start3A_179] : memref<40960x128xf32, #tpu.memory_space<hbm>> -> memref<128x128xf32, #tpu.memory_space<hbm>>
      %dma_start3A_181 = arith.constant 0 : i32
      %dma_start3A_182 = tpu.memref_slice %arg4[%add3A_145, %dma_start3A_181] : memref<40960x128xf32, #tpu.memory_space<hbm>> -> memref<128x128xf32, #tpu.memory_space<hbm>>
      tpu.enqueue_dma source(%arg8 : memref<128x128xf32, #tpu.memory_space<vmem>>) target(%dma_start3A_182 : memref<128x128xf32, #tpu.memory_space<hbm>>) target_semaphore(%run_scoped3A : memref<!tpu.dma_semaphore, #tpu.memory_space<semaphore_mem>>)
      %dma_wait3A_183 = arith.constant 0 : i32
      %dma_wait3A_184 = tpu.memref_slice %arg4[%add3A_145, %dma_wait3A_183] : memref<40960x128xf32, #tpu.memory_space<hbm>> -> memref<128x128xf32, #tpu.memory_space<hbm>>
      %dma_wait3A_185 = arith.constant 0 : i32
      %dma_wait3A_186 = tpu.memref_slice %arg4[%add3A_145, %dma_wait3A_185] : memref<40960x128xf32, #tpu.memory_space<hbm>> -> memref<128x128xf32, #tpu.memory_space<hbm>>
      tpu.wait_dma2 semaphore(%run_scoped3A : memref<!tpu.dma_semaphore, #tpu.memory_space<semaphore_mem>>) src(%arg8 : memref<128x128xf32, #tpu.memory_space<vmem>>) dst(%dma_wait3A_186 : memref<128x128xf32, #tpu.memory_space<hbm>>)
      tpu.yield
    }) : () -> ()
    %dma_wait3A_146 = arith.constant 7 : i32
    %dma_wait3A_147 = arith.constant 0 : i32
    %dma_wait3A_148 = tpu.memref_slice %arg5[%dma_wait3A_146, %dma_wait3A_147] : memref<10x128xi32, #tpu.memory_space<vmem>> -> memref<1x128xi32, #tpu.memory_space<vmem>>
    %dma_wait3A_149 = tpu.memref_squeeze %dma_wait3A_148 : memref<1x128xi32, #tpu.memory_space<vmem>> -> memref<128xi32, #tpu.memory_space<vmem>>
    %dma_wait3A_150 = arith.constant 0 : i32
    %dma_wait3A_151 = arith.constant 0 : i32
    %dma_wait3A_152 = tpu.memref_slice %arg2[%dma_wait3A_150, %dma_wait3A_151] : memref<802816x128xf32, #tpu.memory_space<hbm>> -> memref<802816x128xf32, #tpu.memory_space<hbm>>
    tpu.wait_indirect_dma semaphore(%arg13 : memref<!tpu.dma_semaphore, #tpu.memory_space<semaphore_mem>>) src(%dma_wait3A_152 : memref<802816x128xf32, #tpu.memory_space<hbm>>) dst(%arg9 : memref<128x128xf32, #tpu.memory_space<vmem>>)
    %mul3A_153 = arith.constant 1280 : i32
    %mul3A_154 = arith.muli %add3A, %mul3A_153 : i32
    %add3A_155 = arith.constant 896 : i32
    %add3A_156 = arith.addi %mul3A_154, %add3A_155 : i32
    "tpu.region"() ({
      %run_scoped3A = tpu.sem_alloc : memref<!tpu.dma_semaphore, #tpu.memory_space<semaphore_mem>>
      %dma_start3A_179 = arith.constant 0 : i32
      %dma_start3A_180 = tpu.memref_slice %arg4[%add3A_156, %dma_start3A_179] : memref<40960x128xf32, #tpu.memory_space<hbm>> -> memref<128x128xf32, #tpu.memory_space<hbm>>
      %dma_start3A_181 = arith.constant 0 : i32
      %dma_start3A_182 = tpu.memref_slice %arg4[%add3A_156, %dma_start3A_181] : memref<40960x128xf32, #tpu.memory_space<hbm>> -> memref<128x128xf32, #tpu.memory_space<hbm>>
      tpu.enqueue_dma source(%arg9 : memref<128x128xf32, #tpu.memory_space<vmem>>) target(%dma_start3A_182 : memref<128x128xf32, #tpu.memory_space<hbm>>) target_semaphore(%run_scoped3A : memref<!tpu.dma_semaphore, #tpu.memory_space<semaphore_mem>>)
      %dma_wait3A_183 = arith.constant 0 : i32
      %dma_wait3A_184 = tpu.memref_slice %arg4[%add3A_156, %dma_wait3A_183] : memref<40960x128xf32, #tpu.memory_space<hbm>> -> memref<128x128xf32, #tpu.memory_space<hbm>>
      %dma_wait3A_185 = arith.constant 0 : i32
      %dma_wait3A_186 = tpu.memref_slice %arg4[%add3A_156, %dma_wait3A_185] : memref<40960x128xf32, #tpu.memory_space<hbm>> -> memref<128x128xf32, #tpu.memory_space<hbm>>
      tpu.wait_dma2 semaphore(%run_scoped3A : memref<!tpu.dma_semaphore, #tpu.memory_space<semaphore_mem>>) src(%arg9 : memref<128x128xf32, #tpu.memory_space<vmem>>) dst(%dma_wait3A_186 : memref<128x128xf32, #tpu.memory_space<hbm>>)
      tpu.yield
    }) : () -> ()
    %dma_wait3A_157 = arith.constant 8 : i32
    %dma_wait3A_158 = arith.constant 0 : i32
    %dma_wait3A_159 = tpu.memref_slice %arg5[%dma_wait3A_157, %dma_wait3A_158] : memref<10x128xi32, #tpu.memory_space<vmem>> -> memref<1x128xi32, #tpu.memory_space<vmem>>
    %dma_wait3A_160 = tpu.memref_squeeze %dma_wait3A_159 : memref<1x128xi32, #tpu.memory_space<vmem>> -> memref<128xi32, #tpu.memory_space<vmem>>
    %dma_wait3A_161 = arith.constant 0 : i32
    %dma_wait3A_162 = arith.constant 0 : i32
    %dma_wait3A_163 = tpu.memref_slice %arg2[%dma_wait3A_161, %dma_wait3A_162] : memref<802816x128xf32, #tpu.memory_space<hbm>> -> memref<802816x128xf32, #tpu.memory_space<hbm>>
    tpu.wait_indirect_dma semaphore(%arg10 : memref<!tpu.dma_semaphore, #tpu.memory_space<semaphore_mem>>) src(%dma_wait3A_163 : memref<802816x128xf32, #tpu.memory_space<hbm>>) dst(%arg6 : memref<128x128xf32, #tpu.memory_space<vmem>>)
    %mul3A_164 = arith.constant 1280 : i32
    %mul3A_165 = arith.muli %add3A, %mul3A_164 : i32
    %add3A_166 = arith.constant 1024 : i32
    %add3A_167 = arith.addi %mul3A_165, %add3A_166 : i32
    "tpu.region"() ({
      %run_scoped3A = tpu.sem_alloc : memref<!tpu.dma_semaphore, #tpu.memory_space<semaphore_mem>>
      %dma_start3A_179 = arith.constant 0 : i32
      %dma_start3A_180 = tpu.memref_slice %arg4[%add3A_167, %dma_start3A_179] : memref<40960x128xf32, #tpu.memory_space<hbm>> -> memref<128x128xf32, #tpu.memory_space<hbm>>
      %dma_start3A_181 = arith.constant 0 : i32
      %dma_start3A_182 = tpu.memref_slice %arg4[%add3A_167, %dma_start3A_181] : memref<40960x128xf32, #tpu.memory_space<hbm>> -> memref<128x128xf32, #tpu.memory_space<hbm>>
      tpu.enqueue_dma source(%arg6 : memref<128x128xf32, #tpu.memory_space<vmem>>) target(%dma_start3A_182 : memref<128x128xf32, #tpu.memory_space<hbm>>) target_semaphore(%run_scoped3A : memref<!tpu.dma_semaphore, #tpu.memory_space<semaphore_mem>>)
      %dma_wait3A_183 = arith.constant 0 : i32
      %dma_wait3A_184 = tpu.memref_slice %arg4[%add3A_167, %dma_wait3A_183] : memref<40960x128xf32, #tpu.memory_space<hbm>> -> memref<128x128xf32, #tpu.memory_space<hbm>>
      %dma_wait3A_185 = arith.constant 0 : i32
      %dma_wait3A_186 = tpu.memref_slice %arg4[%add3A_167, %dma_wait3A_185] : memref<40960x128xf32, #tpu.memory_space<hbm>> -> memref<128x128xf32, #tpu.memory_space<hbm>>
      tpu.wait_dma2 semaphore(%run_scoped3A : memref<!tpu.dma_semaphore, #tpu.memory_space<semaphore_mem>>) src(%arg6 : memref<128x128xf32, #tpu.memory_space<vmem>>) dst(%dma_wait3A_186 : memref<128x128xf32, #tpu.memory_space<hbm>>)
      tpu.yield
    }) : () -> ()
    %dma_wait3A_168 = arith.constant 9 : i32
    %dma_wait3A_169 = arith.constant 0 : i32
    %dma_wait3A_170 = tpu.memref_slice %arg5[%dma_wait3A_168, %dma_wait3A_169] : memref<10x128xi32, #tpu.memory_space<vmem>> -> memref<1x128xi32, #tpu.memory_space<vmem>>
    %dma_wait3A_171 = tpu.memref_squeeze %dma_wait3A_170 : memref<1x128xi32, #tpu.memory_space<vmem>> -> memref<128xi32, #tpu.memory_space<vmem>>
    %dma_wait3A_172 = arith.constant 0 : i32
    %dma_wait3A_173 = arith.constant 0 : i32
    %dma_wait3A_174 = tpu.memref_slice %arg2[%dma_wait3A_172, %dma_wait3A_173] : memref<802816x128xf32, #tpu.memory_space<hbm>> -> memref<802816x128xf32, #tpu.memory_space<hbm>>
    tpu.wait_indirect_dma semaphore(%arg11 : memref<!tpu.dma_semaphore, #tpu.memory_space<semaphore_mem>>) src(%dma_wait3A_174 : memref<802816x128xf32, #tpu.memory_space<hbm>>) dst(%arg7 : memref<128x128xf32, #tpu.memory_space<vmem>>)
    %mul3A_175 = arith.constant 1280 : i32
    %mul3A_176 = arith.muli %add3A, %mul3A_175 : i32
    %add3A_177 = arith.constant 1152 : i32
    %add3A_178 = arith.addi %mul3A_176, %add3A_177 : i32
    "tpu.region"() ({
      %run_scoped3A = tpu.sem_alloc : memref<!tpu.dma_semaphore, #tpu.memory_space<semaphore_mem>>
      %dma_start3A_179 = arith.constant 0 : i32
      %dma_start3A_180 = tpu.memref_slice %arg4[%add3A_178, %dma_start3A_179] : memref<40960x128xf32, #tpu.memory_space<hbm>> -> memref<128x128xf32, #tpu.memory_space<hbm>>
      %dma_start3A_181 = arith.constant 0 : i32
      %dma_start3A_182 = tpu.memref_slice %arg4[%add3A_178, %dma_start3A_181] : memref<40960x128xf32, #tpu.memory_space<hbm>> -> memref<128x128xf32, #tpu.memory_space<hbm>>
      tpu.enqueue_dma source(%arg7 : memref<128x128xf32, #tpu.memory_space<vmem>>) target(%dma_start3A_182 : memref<128x128xf32, #tpu.memory_space<hbm>>) target_semaphore(%run_scoped3A : memref<!tpu.dma_semaphore, #tpu.memory_space<semaphore_mem>>)
      %dma_wait3A_183 = arith.constant 0 : i32
      %dma_wait3A_184 = tpu.memref_slice %arg4[%add3A_178, %dma_wait3A_183] : memref<40960x128xf32, #tpu.memory_space<hbm>> -> memref<128x128xf32, #tpu.memory_space<hbm>>
      %dma_wait3A_185 = arith.constant 0 : i32
      %dma_wait3A_186 = tpu.memref_slice %arg4[%add3A_178, %dma_wait3A_185] : memref<40960x128xf32, #tpu.memory_space<hbm>> -> memref<128x128xf32, #tpu.memory_space<hbm>>
      tpu.wait_dma2 semaphore(%run_scoped3A : memref<!tpu.dma_semaphore, #tpu.memory_space<semaphore_mem>>) src(%arg7 : memref<128x128xf32, #tpu.memory_space<vmem>>) dst(%dma_wait3A_186 : memref<128x128xf32, #tpu.memory_space<hbm>>)
      tpu.yield
    }) : () -> ()
    return
  }
}

module attributes {stable_mosaic.version = 14 : i64} {
  func.func @_score_body(%arg0: i32, %arg1: memref<1024x64xf32, #tpu.memory_space<vmem>>, %arg2: memref<2048x64xf32, #tpu.memory_space<vmem>>, %arg3: memref<1024x1xf32, #tpu.memory_space<vmem>>, %arg4: memref<1x2048xf32, #tpu.memory_space<vmem>>, %arg5: memref<1024x2048xf32, #tpu.memory_space<vmem>>, %arg6: memref<1x1024x16xf32, #tpu.memory_space<vmem>>) attributes {dimension_semantics = [#tpu.dimension_semantics<arbitrary>], iteration_bounds = array<i64: 49>, scalar_prefetch = 0 : i64, scratch_operands = 0 : i64, tpu.core_type = #tpu.core_type<tc>, window_params = [{pipeline_mode = #tpu.pipeline_mode<synchronous>, transform_indices = @transform_0, window_bounds = array<i64: 1024, 64>}, {transform_indices = @transform_1, window_bounds = array<i64: 2048, 64>}, {pipeline_mode = #tpu.pipeline_mode<synchronous>, transform_indices = @transform_2, window_bounds = array<i64: 1024, 1>}, {transform_indices = @transform_3, window_bounds = array<i64: 1, 2048>}, {transform_indices = @transform_4, window_bounds = array<i64: 1024, 2048>}, {transform_indices = @transform_5, window_bounds = array<i64: 1, 1024, 16>}]} {
    %get3A = arith.constant 0 : index
    %get3A_0 = arith.constant 0 : index
    %get3A_1 = vector.load %arg1[%get3A, %get3A_0] : memref<1024x64xf32, #tpu.memory_space<vmem>>, vector<1024x64xf32>
    %get3A_2 = arith.constant 0 : index
    %get3A_3 = arith.constant 0 : index
    %get3A_4 = vector.load %arg2[%get3A_2, %get3A_3] : memref<2048x64xf32, #tpu.memory_space<vmem>>, vector<2048x64xf32>
    %dot_general3A = arith.constant dense<0.000000e+00> : vector<1024x2048xf32>
    %dot_general3A_5 = tpu.matmul %get3A_1, %get3A_4, %dot_general3A {dimension_numbers = #tpu.dot_dimension_numbers<[1], [1], [0], [0], [0, 0, 1, 0], [], []>, transpose_lhs_hint = false} : vector<1024x64xf32>, vector<2048x64xf32>, vector<1024x2048xf32> -> vector<1024x2048xf32>
    %get3A_6 = arith.constant 0 : index
    %get3A_7 = arith.constant 0 : index
    %get3A_8 = vector.load %arg3[%get3A_6, %get3A_7] : memref<1024x1xf32, #tpu.memory_space<vmem>>, vector<1024x1xf32>
    %get3A_9 = arith.constant 0 : index
    %get3A_10 = arith.constant 0 : index
    %get3A_11 = vector.load %arg4[%get3A_9, %get3A_10] : memref<1x2048xf32, #tpu.memory_space<vmem>>, vector<1x2048xf32>
    %sub3A = vector.broadcast %get3A_8 : vector<1024x1xf32> to vector<1024x2048xf32>
    %sub3A_12 = arith.subf %dot_general3A_5, %sub3A : vector<1024x2048xf32>
    %sub3A_13 = vector.broadcast %get3A_11 : vector<1x2048xf32> to vector<1024x2048xf32>
    %sub3A_14 = arith.subf %sub3A_12, %sub3A_13 : vector<1024x2048xf32>
    %mul3A = arith.constant 2048 : i32
    %mul3A_15 = arith.muli %arg0, %mul3A : i32
    %iota3A = tpu.iota {dimensions = array<i32: 1>} : vector<1x2048xi32>
    %add3A = vector.broadcast %mul3A_15 : i32 to vector<1x2048xi32>
    %add3A_16 = arith.addi %add3A, %iota3A : vector<1x2048xi32>
    %lt3A = arith.constant 100000 : i32
    %lt3A_17 = vector.broadcast %lt3A : i32 to vector<1x2048xi32>
    %lt3A_18 = arith.cmpi slt, %add3A_16, %lt3A_17 : vector<1x2048xi32>
    %jit3A = arith.constant 0xFF800000 : f32
    %broadcast_in_dim3A = vector.shape_cast %lt3A_18 : vector<1x2048xi1> to vector<1x2048xi1>
    %broadcast_in_dim3A_19 = vector.broadcast %broadcast_in_dim3A : vector<1x2048xi1> to vector<1024x2048xi1>
    %broadcast_in_dim3A_20 = vector.broadcast %jit3A : f32 to vector<1024x2048xf32>
    %select_n3A = arith.select %broadcast_in_dim3A_19, %sub3A_14, %broadcast_in_dim3A_20 : vector<1024x2048xi1>, vector<1024x2048xf32>
    %swap3A = arith.constant 0 : index
    %swap3A_21 = arith.constant 0 : index
    %swap3A_22 = vector.load %arg5[%swap3A, %swap3A_21] : memref<1024x2048xf32, #tpu.memory_space<vmem>>, vector<1024x2048xf32>
    tpu.vector_store %arg5[%swap3A, %swap3A_21], %select_n3A {strides = array<i32>} : memref<1024x2048xf32, #tpu.memory_space<vmem>>, vector<1024x2048xf32>,
    %slice3A = vector.extract_strided_slice %select_n3A {offsets = [0, 0], sizes = [1024, 128], strides = [1, 1]} : vector<1024x2048xf32> to vector<1024x128xf32>
    %reduce_max3A = arith.constant dense<0xFF800000> : vector<1024xf32>
    %reduce_max3A_23 = vector.multi_reduction <maximumf>, %slice3A, %reduce_max3A [1] : vector<1024x128xf32> to vector<1024xf32>
    %broadcast_in_dim3A_24 = vector.shape_cast %reduce_max3A_23 : vector<1024xf32> to vector<1024x1xf32>
    %slice3A_25 = vector.extract_strided_slice %select_n3A {offsets = [0, 128], sizes = [1024, 128], strides = [1, 1]} : vector<1024x2048xf32> to vector<1024x128xf32>
    %reduce_max3A_26 = arith.constant dense<0xFF800000> : vector<1024xf32>
    %reduce_max3A_27 = vector.multi_reduction <maximumf>, %slice3A_25, %reduce_max3A_26 [1] : vector<1024x128xf32> to vector<1024xf32>
    %broadcast_in_dim3A_28 = vector.shape_cast %reduce_max3A_27 : vector<1024xf32> to vector<1024x1xf32>
    %slice3A_29 = vector.extract_strided_slice %select_n3A {offsets = [0, 256], sizes = [1024, 128], strides = [1, 1]} : vector<1024x2048xf32> to vector<1024x128xf32>
    %reduce_max3A_30 = arith.constant dense<0xFF800000> : vector<1024xf32>
    %reduce_max3A_31 = vector.multi_reduction <maximumf>, %slice3A_29, %reduce_max3A_30 [1] : vector<1024x128xf32> to vector<1024xf32>
    %broadcast_in_dim3A_32 = vector.shape_cast %reduce_max3A_31 : vector<1024xf32> to vector<1024x1xf32>
    %slice3A_33 = vector.extract_strided_slice %select_n3A {offsets = [0, 384], sizes = [1024, 128], strides = [1, 1]} : vector<1024x2048xf32> to vector<1024x128xf32>
    %reduce_max3A_34 = arith.constant dense<0xFF800000> : vector<1024xf32>
    %reduce_max3A_35 = vector.multi_reduction <maximumf>, %slice3A_33, %reduce_max3A_34 [1] : vector<1024x128xf32> to vector<1024xf32>
    %broadcast_in_dim3A_36 = vector.shape_cast %reduce_max3A_35 : vector<1024xf32> to vector<1024x1xf32>
    %slice3A_37 = vector.extract_strided_slice %select_n3A {offsets = [0, 512], sizes = [1024, 128], strides = [1, 1]} : vector<1024x2048xf32> to vector<1024x128xf32>
    %reduce_max3A_38 = arith.constant dense<0xFF800000> : vector<1024xf32>
    %reduce_max3A_39 = vector.multi_reduction <maximumf>, %slice3A_37, %reduce_max3A_38 [1] : vector<1024x128xf32> to vector<1024xf32>
    %broadcast_in_dim3A_40 = vector.shape_cast %reduce_max3A_39 : vector<1024xf32> to vector<1024x1xf32>
    %slice3A_41 = vector.extract_strided_slice %select_n3A {offsets = [0, 640], sizes = [1024, 128], strides = [1, 1]} : vector<1024x2048xf32> to vector<1024x128xf32>
    %reduce_max3A_42 = arith.constant dense<0xFF800000> : vector<1024xf32>
    %reduce_max3A_43 = vector.multi_reduction <maximumf>, %slice3A_41, %reduce_max3A_42 [1] : vector<1024x128xf32> to vector<1024xf32>
    %broadcast_in_dim3A_44 = vector.shape_cast %reduce_max3A_43 : vector<1024xf32> to vector<1024x1xf32>
    %slice3A_45 = vector.extract_strided_slice %select_n3A {offsets = [0, 768], sizes = [1024, 128], strides = [1, 1]} : vector<1024x2048xf32> to vector<1024x128xf32>
    %reduce_max3A_46 = arith.constant dense<0xFF800000> : vector<1024xf32>
    %reduce_max3A_47 = vector.multi_reduction <maximumf>, %slice3A_45, %reduce_max3A_46 [1] : vector<1024x128xf32> to vector<1024xf32>
    %broadcast_in_dim3A_48 = vector.shape_cast %reduce_max3A_47 : vector<1024xf32> to vector<1024x1xf32>
    %slice3A_49 = vector.extract_strided_slice %select_n3A {offsets = [0, 896], sizes = [1024, 128], strides = [1, 1]} : vector<1024x2048xf32> to vector<1024x128xf32>
    %reduce_max3A_50 = arith.constant dense<0xFF800000> : vector<1024xf32>
    %reduce_max3A_51 = vector.multi_reduction <maximumf>, %slice3A_49, %reduce_max3A_50 [1] : vector<1024x128xf32> to vector<1024xf32>
    %broadcast_in_dim3A_52 = vector.shape_cast %reduce_max3A_51 : vector<1024xf32> to vector<1024x1xf32>
    %slice3A_53 = vector.extract_strided_slice %select_n3A {offsets = [0, 1024], sizes = [1024, 128], strides = [1, 1]} : vector<1024x2048xf32> to vector<1024x128xf32>
    %reduce_max3A_54 = arith.constant dense<0xFF800000> : vector<1024xf32>
    %reduce_max3A_55 = vector.multi_reduction <maximumf>, %slice3A_53, %reduce_max3A_54 [1] : vector<1024x128xf32> to vector<1024xf32>
    %broadcast_in_dim3A_56 = vector.shape_cast %reduce_max3A_55 : vector<1024xf32> to vector<1024x1xf32>
    %slice3A_57 = vector.extract_strided_slice %select_n3A {offsets = [0, 1152], sizes = [1024, 128], strides = [1, 1]} : vector<1024x2048xf32> to vector<1024x128xf32>
    %reduce_max3A_58 = arith.constant dense<0xFF800000> : vector<1024xf32>
    %reduce_max3A_59 = vector.multi_reduction <maximumf>, %slice3A_57, %reduce_max3A_58 [1] : vector<1024x128xf32> to vector<1024xf32>
    %broadcast_in_dim3A_60 = vector.shape_cast %reduce_max3A_59 : vector<1024xf32> to vector<1024x1xf32>
    %slice3A_61 = vector.extract_strided_slice %select_n3A {offsets = [0, 1280], sizes = [1024, 128], strides = [1, 1]} : vector<1024x2048xf32> to vector<1024x128xf32>
    %reduce_max3A_62 = arith.constant dense<0xFF800000> : vector<1024xf32>
    %reduce_max3A_63 = vector.multi_reduction <maximumf>, %slice3A_61, %reduce_max3A_62 [1] : vector<1024x128xf32> to vector<1024xf32>
    %broadcast_in_dim3A_64 = vector.shape_cast %reduce_max3A_63 : vector<1024xf32> to vector<1024x1xf32>
    %slice3A_65 = vector.extract_strided_slice %select_n3A {offsets = [0, 1408], sizes = [1024, 128], strides = [1, 1]} : vector<1024x2048xf32> to vector<1024x128xf32>
    %reduce_max3A_66 = arith.constant dense<0xFF800000> : vector<1024xf32>
    %reduce_max3A_67 = vector.multi_reduction <maximumf>, %slice3A_65, %reduce_max3A_66 [1] : vector<1024x128xf32> to vector<1024xf32>
    %broadcast_in_dim3A_68 = vector.shape_cast %reduce_max3A_67 : vector<1024xf32> to vector<1024x1xf32>
    %slice3A_69 = vector.extract_strided_slice %select_n3A {offsets = [0, 1536], sizes = [1024, 128], strides = [1, 1]} : vector<1024x2048xf32> to vector<1024x128xf32>
    %reduce_max3A_70 = arith.constant dense<0xFF800000> : vector<1024xf32>
    %reduce_max3A_71 = vector.multi_reduction <maximumf>, %slice3A_69, %reduce_max3A_70 [1] : vector<1024x128xf32> to vector<1024xf32>
    %broadcast_in_dim3A_72 = vector.shape_cast %reduce_max3A_71 : vector<1024xf32> to vector<1024x1xf32>
    %slice3A_73 = vector.extract_strided_slice %select_n3A {offsets = [0, 1664], sizes = [1024, 128], strides = [1, 1]} : vector<1024x2048xf32> to vector<1024x128xf32>
    %reduce_max3A_74 = arith.constant dense<0xFF800000> : vector<1024xf32>
    %reduce_max3A_75 = vector.multi_reduction <maximumf>, %slice3A_73, %reduce_max3A_74 [1] : vector<1024x128xf32> to vector<1024xf32>
    %broadcast_in_dim3A_76 = vector.shape_cast %reduce_max3A_75 : vector<1024xf32> to vector<1024x1xf32>
    %slice3A_77 = vector.extract_strided_slice %select_n3A {offsets = [0, 1792], sizes = [1024, 128], strides = [1, 1]} : vector<1024x2048xf32> to vector<1024x128xf32>
    %reduce_max3A_78 = arith.constant dense<0xFF800000> : vector<1024xf32>
    %reduce_max3A_79 = vector.multi_reduction <maximumf>, %slice3A_77, %reduce_max3A_78 [1] : vector<1024x128xf32> to vector<1024xf32>
    %broadcast_in_dim3A_80 = vector.shape_cast %reduce_max3A_79 : vector<1024xf32> to vector<1024x1xf32>
    %slice3A_81 = vector.extract_strided_slice %select_n3A {offsets = [0, 1920], sizes = [1024, 128], strides = [1, 1]} : vector<1024x2048xf32> to vector<1024x128xf32>
    %reduce_max3A_82 = arith.constant dense<0xFF800000> : vector<1024xf32>
    %reduce_max3A_83 = vector.multi_reduction <maximumf>, %slice3A_81, %reduce_max3A_82 [1] : vector<1024x128xf32> to vector<1024xf32>
    %broadcast_in_dim3A_84 = vector.shape_cast %reduce_max3A_83 : vector<1024xf32> to vector<1024x1xf32>
    %concatenate3A = tpu.concatenate %broadcast_in_dim3A_24, %broadcast_in_dim3A_28, %broadcast_in_dim3A_32, %broadcast_in_dim3A_36, %broadcast_in_dim3A_40, %broadcast_in_dim3A_44, %broadcast_in_dim3A_48, %broadcast_in_dim3A_52, %broadcast_in_dim3A_56, %broadcast_in_dim3A_60, %broadcast_in_dim3A_64, %broadcast_in_dim3A_68, %broadcast_in_dim3A_72, %broadcast_in_dim3A_76, %broadcast_in_dim3A_80, %broadcast_in_dim3A_84 in 1 : vector<1024x1xf32>, vector<1024x1xf32>, vector<1024x1xf32>, vector<1024x1xf32>, vector<1024x1xf32>, vector<1024x1xf32>, vector<1024x1xf32>, vector<1024x1xf32>, vector<1024x1xf32>, vector<1024x1xf32>, vector<1024x1xf32>, vector<1024x1xf32>, vector<1024x1xf32>, vector<1024x1xf32>, vector<1024x1xf32>, vector<1024x1xf32> -> vector<1024x16xf32>
    %broadcast_in_dim3A_85 = vector.shape_cast %concatenate3A : vector<1024x16xf32> to vector<1x1024x16xf32>
    %swap3A_86 = arith.constant 0 : index
    %swap3A_87 = arith.constant 0 : index
    %swap3A_88 = arith.constant 0 : index
    %swap3A_89 = vector.load %arg6[%swap3A_86, %swap3A_87, %swap3A_88] : memref<1x1024x16xf32, #tpu.memory_space<vmem>>, vector<1x1024x16xf32>
    tpu.vector_store %arg6[%swap3A_86, %swap3A_87, %swap3A_88], %broadcast_in_dim3A_85 {strides = array<i32>} : memref<1x1024x16xf32, #tpu.memory_space<vmem>>, vector<1x1024x16xf32>,
    return
  }
  func.func @transform_0(%arg0: i32) -> (i32, i32) {
    %c0_i32 = arith.constant 0 : i32
    %c0_i32_0 = arith.constant 0 : i32
    %c0_i32_1 = arith.constant 0 : i32
    return %c0_i32, %c0_i32_0 : i32, i32
  }
  func.func @transform_1(%arg0: i32) -> (i32, i32) {
    %c0_i32 = arith.constant 0 : i32
    %c0_i32_0 = arith.constant 0 : i32
    return %arg0, %c0_i32 : i32, i32
  }
  func.func @transform_2(%arg0: i32) -> (i32, i32) {
    %c0_i32 = arith.constant 0 : i32
    %c0_i32_0 = arith.constant 0 : i32
    %c0_i32_1 = arith.constant 0 : i32
    return %c0_i32, %c0_i32_0 : i32, i32
  }
  func.func @transform_3(%arg0: i32) -> (i32, i32) {
    %c0_i32 = arith.constant 0 : i32
    %c0_i32_0 = arith.constant 0 : i32
    return %c0_i32, %arg0 : i32, i32
  }
  func.func @transform_4(%arg0: i32) -> (i32, i32) {
    %c0_i32 = arith.constant 0 : i32
    %c0_i32_0 = arith.constant 0 : i32
    return %c0_i32, %arg0 : i32, i32
  }
  func.func @transform_5(%arg0: i32) -> (i32, i32, i32) {
    %c0_i32 = arith.constant 0 : i32
    %c0_i32_0 = arith.constant 0 : i32
    %c0_i32_1 = arith.constant 0 : i32
    return %arg0, %c0_i32, %c0_i32_0 : i32, i32, i32
  }
}

module attributes {stable_mosaic.version = 14 : i64} {
  func.func @_select_body(%arg0: memref<1024x784xf32, #tpu.memory_space<vmem>>, %arg1: memref<1024x40xi32, #tpu.memory_space<vmem>>) attributes {dimension_semantics = [], scalar_prefetch = 0 : i64, scratch_operands = 0 : i64, tpu.core_type = #tpu.core_type<tc>} {
    %get3A = arith.constant 0 : index
    %get3A_0 = arith.constant 0 : index
    %get3A_1 = vector.load %arg0[%get3A, %get3A_0] : memref<1024x784xf32, #tpu.memory_space<vmem>>, vector<1024x784xf32>
    %iota3A = tpu.iota {dimensions = array<i32: 1>} : vector<1024x784xi32>
    %iota3A_2 = tpu.iota {dimensions = array<i32: 1>} : vector<1024x40xi32>
    %broadcast_in_dim3A = arith.constant 0 : i32
    %broadcast_in_dim3A_3 = vector.broadcast %broadcast_in_dim3A : i32 to vector<1024x40xi32>
    %scan3A = arith.constant 0 : i32
    %scan3A_4 = arith.constant 40 : i32
    %scan3A_5 = arith.addi %scan3A, %scan3A_4 : i32
    %scan3A_6 = arith.constant 1 : i32
    %scan3A_7:2 = scf.for %scan3A_19 = %scan3A to %scan3A_5 step %scan3A_6 iter_args(%scan3A_20 = %get3A_1, %scan3A_21 = %broadcast_in_dim3A_3) -> (vector<1024x784xf32>, vector<1024x40xi32>)  : i32 {
      %reduce_max3A = arith.constant dense<0xFF800000> : vector<1024xf32>
      %reduce_max3A_22 = vector.multi_reduction <maximumf>, %scan3A_20, %reduce_max3A [1] : vector<1024x784xf32> to vector<1024xf32>
      %broadcast_in_dim3A_23 = vector.shape_cast %reduce_max3A_22 : vector<1024xf32> to vector<1024x1xf32>
      %eq3A = vector.broadcast %broadcast_in_dim3A_23 : vector<1024x1xf32> to vector<1024x784xf32>
      %eq3A_24 = arith.cmpf oeq, %scan3A_20, %eq3A : vector<1024x784xf32>
      %jit3A = arith.constant 784 : i32
      %broadcast_in_dim3A_25 = vector.broadcast %jit3A : i32 to vector<1024x784xi32>
      %select_n3A = arith.select %eq3A_24, %iota3A, %broadcast_in_dim3A_25 : vector<1024x784xi1>, vector<1024x784xi32>
      %reduce_min3A = arith.constant dense<2147483647> : vector<1024xi32>
      %reduce_min3A_26 = vector.multi_reduction <minsi>, %select_n3A, %reduce_min3A [1] : vector<1024x784xi32> to vector<1024xi32>
      %eq3A_27 = vector.broadcast %scan3A_19 : i32 to vector<1024x40xi32>
      %eq3A_28 = arith.cmpi eq, %iota3A_2, %eq3A_27 : vector<1024x40xi32>
      %broadcast_in_dim3A_29 = vector.shape_cast %reduce_min3A_26 : vector<1024xi32> to vector<1024x1xi32>
      %broadcast_in_dim3A_30 = vector.shape_cast %broadcast_in_dim3A_29 : vector<1024x1xi32> to vector<1024x1xi32>
      %broadcast_in_dim3A_31 = vector.broadcast %broadcast_in_dim3A_30 : vector<1024x1xi32> to vector<1024x40xi32>
      %select_n3A_32 = arith.select %eq3A_28, %broadcast_in_dim3A_31, %scan3A_21 : vector<1024x40xi1>, vector<1024x40xi32>
      %broadcast_in_dim3A_33 = vector.shape_cast %reduce_min3A_26 : vector<1024xi32> to vector<1024x1xi32>
      %eq3A_34 = vector.broadcast %broadcast_in_dim3A_33 : vector<1024x1xi32> to vector<1024x784xi32>
      %eq3A_35 = arith.cmpi eq, %iota3A, %eq3A_34 : vector<1024x784xi32>
      %jit3A_36 = arith.constant 0xFF800000 : f32
      %broadcast_in_dim3A_37 = vector.broadcast %jit3A_36 : f32 to vector<1024x784xf32>
      %select_n3A_38 = arith.select %eq3A_35, %broadcast_in_dim3A_37, %scan3A_20 : vector<1024x784xi1>, vector<1024x784xf32>
      scf.yield %select_n3A_38, %select_n3A_32 : vector<1024x784xf32>, vector<1024x40xi32>
    }
    %scan3A_8 = arith.constant 40 : i32
    %broadcast_in_dim3A_9 = arith.constant 0 : i32
    %broadcast_in_dim3A_10 = vector.broadcast %broadcast_in_dim3A_9 : i32 to vector<1024x40xi32>
    %scan3A_11 = arith.constant 0 : i32
    %scan3A_12 = arith.constant 40 : i32
    %scan3A_13 = arith.addi %scan3A_11, %scan3A_12 : i32
    %scan3A_14 = arith.constant 1 : i32
    %scan3A_15:2 = scf.for %scan3A_19 = %scan3A_11 to %scan3A_13 step %scan3A_14 iter_args(%scan3A_20 = %scan3A_7#1, %scan3A_21 = %broadcast_in_dim3A_10) -> (vector<1024x40xi32>, vector<1024x40xi32>)  : i32 {
      %reduce_min3A = arith.constant dense<2147483647> : vector<1024xi32>
      %reduce_min3A_22 = vector.multi_reduction <minsi>, %scan3A_20, %reduce_min3A [1] : vector<1024x40xi32> to vector<1024xi32>
      %eq3A = vector.broadcast %scan3A_19 : i32 to vector<1024x40xi32>
      %eq3A_23 = arith.cmpi eq, %iota3A_2, %eq3A : vector<1024x40xi32>
      %broadcast_in_dim3A_24 = vector.shape_cast %reduce_min3A_22 : vector<1024xi32> to vector<1024x1xi32>
      %broadcast_in_dim3A_25 = vector.shape_cast %broadcast_in_dim3A_24 : vector<1024x1xi32> to vector<1024x1xi32>
      %broadcast_in_dim3A_26 = vector.broadcast %broadcast_in_dim3A_25 : vector<1024x1xi32> to vector<1024x40xi32>
      %select_n3A = arith.select %eq3A_23, %broadcast_in_dim3A_26, %scan3A_21 : vector<1024x40xi1>, vector<1024x40xi32>
      %broadcast_in_dim3A_27 = vector.shape_cast %reduce_min3A_22 : vector<1024xi32> to vector<1024x1xi32>
      %eq3A_28 = vector.broadcast %broadcast_in_dim3A_27 : vector<1024x1xi32> to vector<1024x40xi32>
      %eq3A_29 = arith.cmpi eq, %scan3A_20, %eq3A_28 : vector<1024x40xi32>
      %jit3A = arith.constant 785 : i32
      %broadcast_in_dim3A_30 = vector.broadcast %jit3A : i32 to vector<1024x40xi32>
      %select_n3A_31 = arith.select %eq3A_29, %broadcast_in_dim3A_30, %scan3A_20 : vector<1024x40xi1>, vector<1024x40xi32>
      scf.yield %select_n3A_31, %select_n3A : vector<1024x40xi32>, vector<1024x40xi32>
    }
    %scan3A_16 = arith.constant 40 : i32
    %swap3A = arith.constant 0 : index
    %swap3A_17 = arith.constant 0 : index
    %swap3A_18 = vector.load %arg1[%swap3A, %swap3A_17] : memref<1024x40xi32, #tpu.memory_space<vmem>>, vector<1024x40xi32>
    tpu.vector_store %arg1[%swap3A, %swap3A_17], %scan3A_15#1 {strides = array<i32>} : memref<1024x40xi32, #tpu.memory_space<vmem>>, vector<1024x40xi32>,
    return
  }
}

module attributes {stable_mosaic.version = 14 : i64} {
  func.func @_final_body(%arg0: i32, %arg1: memref<512x5120xf32, #tpu.memory_space<vmem>>, %arg2: memref<512x40xi32, #tpu.memory_space<vmem>>, %arg3: memref<512x32xf32, #tpu.memory_space<vmem>>, %arg4: memref<512x32xi32, #tpu.memory_space<vmem>>) attributes {dimension_semantics = [#tpu.dimension_semantics<arbitrary>], iteration_bounds = array<i64: 2>, scalar_prefetch = 0 : i64, scratch_operands = 0 : i64, tpu.core_type = #tpu.core_type<tc>, window_params = [{transform_indices = @transform_0, window_bounds = array<i64: 512, 5120>}, {transform_indices = @transform_1, window_bounds = array<i64: 512, 40>}, {transform_indices = @transform_2, window_bounds = array<i64: 512, 32>}, {transform_indices = @transform_3, window_bounds = array<i64: 512, 32>}]} {
    %get3A = arith.constant 0 : index
    %get3A_0 = arith.constant 0 : index
    %get3A_1 = vector.load %arg1[%get3A, %get3A_0] : memref<512x5120xf32, #tpu.memory_space<vmem>>, vector<512x5120xf32>
    %get3A_2 = arith.constant 0 : index
    %get3A_3 = arith.constant 0 : index
    %get3A_4 = vector.load %arg2[%get3A_2, %get3A_3] : memref<512x40xi32, #tpu.memory_space<vmem>>, vector<512x40xi32>
    %iota3A = tpu.iota {dimensions = array<i32: 1>} : vector<512x5120xi32>
    %iota3A_5 = tpu.iota {dimensions = array<i32: 1>} : vector<512x32xi32>
    %broadcast_in_dim3A = arith.constant 0.000000e+00 : f32
    %broadcast_in_dim3A_6 = vector.broadcast %broadcast_in_dim3A : f32 to vector<512x32xf32>
    %broadcast_in_dim3A_7 = arith.constant 0 : i32
    %broadcast_in_dim3A_8 = vector.broadcast %broadcast_in_dim3A_7 : i32 to vector<512x32xi32>
    %scan3A = arith.constant 0 : i32
    %scan3A_9 = arith.constant 32 : i32
    %scan3A_10 = arith.addi %scan3A, %scan3A_9 : i32
    %scan3A_11 = arith.constant 1 : i32
    %scan3A_12:3 = scf.for %scan3A_33 = %scan3A to %scan3A_10 step %scan3A_11 iter_args(%scan3A_34 = %get3A_1, %scan3A_35 = %broadcast_in_dim3A_6, %scan3A_36 = %broadcast_in_dim3A_8) -> (vector<512x5120xf32>, vector<512x32xf32>, vector<512x32xi32>)  : i32 {
      %reduce_max3A = arith.constant dense<0xFF800000> : vector<512xf32>
      %reduce_max3A_37 = vector.multi_reduction <maximumf>, %scan3A_34, %reduce_max3A [1] : vector<512x5120xf32> to vector<512xf32>
      %broadcast_in_dim3A_38 = vector.shape_cast %reduce_max3A_37 : vector<512xf32> to vector<512x1xf32>
      %eq3A_39 = vector.broadcast %broadcast_in_dim3A_38 : vector<512x1xf32> to vector<512x5120xf32>
      %eq3A_40 = arith.cmpf oeq, %scan3A_34, %eq3A_39 : vector<512x5120xf32>
      %jit3A_41 = arith.constant 5120 : i32
      %broadcast_in_dim3A_42 = vector.broadcast %jit3A_41 : i32 to vector<512x5120xi32>
      %select_n3A_43 = arith.select %eq3A_40, %iota3A, %broadcast_in_dim3A_42 : vector<512x5120xi1>, vector<512x5120xi32>
      %reduce_min3A = arith.constant dense<2147483647> : vector<512xi32>
      %reduce_min3A_44 = vector.multi_reduction <minsi>, %select_n3A_43, %reduce_min3A [1] : vector<512x5120xi32> to vector<512xi32>
      %broadcast_in_dim3A_45 = vector.shape_cast %reduce_min3A_44 : vector<512xi32> to vector<512x1xi32>
      %eq3A_46 = vector.broadcast %broadcast_in_dim3A_45 : vector<512x1xi32> to vector<512x5120xi32>
      %eq3A_47 = arith.cmpi eq, %iota3A, %eq3A_46 : vector<512x5120xi32>
      %jit3A_48 = arith.constant 0xFF800000 : f32
      %broadcast_in_dim3A_49 = vector.broadcast %jit3A_48 : f32 to vector<512x5120xf32>
      %select_n3A_50 = arith.select %eq3A_47, %broadcast_in_dim3A_49, %scan3A_34 : vector<512x5120xi1>, vector<512x5120xf32>
      %eq3A_51 = vector.broadcast %scan3A_33 : i32 to vector<512x32xi32>
      %eq3A_52 = arith.cmpi eq, %iota3A_5, %eq3A_51 : vector<512x32xi32>
      %broadcast_in_dim3A_53 = vector.shape_cast %reduce_max3A_37 : vector<512xf32> to vector<512x1xf32>
      %broadcast_in_dim3A_54 = vector.shape_cast %broadcast_in_dim3A_53 : vector<512x1xf32> to vector<512x1xf32>
      %broadcast_in_dim3A_55 = vector.broadcast %broadcast_in_dim3A_54 : vector<512x1xf32> to vector<512x32xf32>
      %select_n3A_56 = arith.select %eq3A_52, %broadcast_in_dim3A_55, %scan3A_35 : vector<512x32xi1>, vector<512x32xf32>
      %broadcast_in_dim3A_57 = vector.shape_cast %reduce_min3A_44 : vector<512xi32> to vector<512x1xi32>
      %broadcast_in_dim3A_58 = vector.shape_cast %broadcast_in_dim3A_57 : vector<512x1xi32> to vector<512x1xi32>
      %broadcast_in_dim3A_59 = vector.broadcast %broadcast_in_dim3A_58 : vector<512x1xi32> to vector<512x32xi32>
      %select_n3A_60 = arith.select %eq3A_52, %broadcast_in_dim3A_59, %scan3A_36 : vector<512x32xi1>, vector<512x32xi32>
      scf.yield %select_n3A_50, %select_n3A_56, %select_n3A_60 : vector<512x5120xf32>, vector<512x32xf32>, vector<512x32xi32>
    }
    %scan3A_13 = arith.constant 32 : i32
    %shift_right_arithmetic3A = arith.constant 7 : i32
    %shift_right_arithmetic3A_14 = vector.broadcast %shift_right_arithmetic3A : i32 to vector<512x32xi32>
    %shift_right_arithmetic3A_15 = arith.shrsi %scan3A_12#2, %shift_right_arithmetic3A_14 : vector<512x32xi32>
    %and3A = arith.constant 127 : i32
    %and3A_16 = vector.broadcast %and3A : i32 to vector<512x32xi32>
    %and3A_17 = arith.andi %scan3A_12#2, %and3A_16 : vector<512x32xi32>
    %broadcast_in_dim3A_18 = vector.shape_cast %shift_right_arithmetic3A_15 : vector<512x32xi32> to vector<512x32x1xi32>
    %iota3A_19 = tpu.iota {dimensions = array<i32: 2>} : vector<512x32x40xi32>
    %eq3A = vector.broadcast %broadcast_in_dim3A_18 : vector<512x32x1xi32> to vector<512x32x40xi32>
    %eq3A_20 = arith.cmpi eq, %eq3A, %iota3A_19 : vector<512x32x40xi32>
    %broadcast_in_dim3A_21 = vector.shape_cast %get3A_4 : vector<512x40xi32> to vector<512x1x40xi32>
    %jit3A = arith.constant 0 : i32
    %broadcast_in_dim3A_22 = vector.shape_cast %broadcast_in_dim3A_21 : vector<512x1x40xi32> to vector<512x1x40xi32>
    %broadcast_in_dim3A_23 = vector.broadcast %broadcast_in_dim3A_22 : vector<512x1x40xi32> to vector<512x32x40xi32>
    %broadcast_in_dim3A_24 = vector.broadcast %jit3A : i32 to vector<512x32x40xi32>
    %select_n3A = arith.select %eq3A_20, %broadcast_in_dim3A_23, %broadcast_in_dim3A_24 : vector<512x32x40xi1>, vector<512x32x40xi32>
    %reduce_sum3A = arith.constant dense<0> : vector<512x32xi32>
    %reduce_sum3A_25 = vector.multi_reduction <add>, %select_n3A, %reduce_sum3A [2] : vector<512x32x40xi32> to vector<512x32xi32>
    %swap3A = arith.constant 0 : index
    %swap3A_26 = arith.constant 0 : index
    %swap3A_27 = vector.load %arg3[%swap3A, %swap3A_26] : memref<512x32xf32, #tpu.memory_space<vmem>>, vector<512x32xf32>
    tpu.vector_store %arg3[%swap3A, %swap3A_26], %scan3A_12#1 {strides = array<i32>} : memref<512x32xf32, #tpu.memory_space<vmem>>, vector<512x32xf32>,
    %mul3A = arith.constant 128 : i32
    %mul3A_28 = vector.broadcast %mul3A : i32 to vector<512x32xi32>
    %mul3A_29 = arith.muli %reduce_sum3A_25, %mul3A_28 : vector<512x32xi32>
    %add3A = arith.addi %mul3A_29, %and3A_17 : vector<512x32xi32>
    %swap3A_30 = arith.constant 0 : index
    %swap3A_31 = arith.constant 0 : index
    %swap3A_32 = vector.load %arg4[%swap3A_30, %swap3A_31] : memref<512x32xi32, #tpu.memory_space<vmem>>, vector<512x32xi32>
    tpu.vector_store %arg4[%swap3A_30, %swap3A_31], %add3A {strides = array<i32>} : memref<512x32xi32, #tpu.memory_space<vmem>>, vector<512x32xi32>,
    return
  }
  func.func @transform_0(%arg0: i32) -> (i32, i32) {
    %c0_i32 = arith.constant 0 : i32
    %c0_i32_0 = arith.constant 0 : i32
    return %arg0, %c0_i32 : i32, i32
  }
  func.func @transform_1(%arg0: i32) -> (i32, i32) {
    %c0_i32 = arith.constant 0 : i32
    %c0_i32_0 = arith.constant 0 : i32
    return %arg0, %c0_i32 : i32, i32
  }
  func.func @transform_2(%arg0: i32) -> (i32, i32) {
    %c0_i32 = arith.constant 0 : i32
    %c0_i32_0 = arith.constant 0 : i32
    return %arg0, %c0_i32 : i32, i32
  }
  func.func @transform_3(%arg0: i32) -> (i32, i32) {
    %c0_i32 = arith.constant 0 : i32
    %c0_i32_0 = arith.constant 0 : i32
    return %arg0, %c0_i32 : i32, i32
  }
}

module attributes {stable_mosaic.version = 14 : i64} {
  func.func @_out_body(%arg0: memref<1024x32xf32, #tpu.memory_space<vmem>>, %arg1: memref<1024x32x128xf32, #tpu.memory_space<vmem>>, %arg2: memref<1024x64xf32, #tpu.memory_space<vmem>>) attributes {dimension_semantics = [], scalar_prefetch = 0 : i64, scratch_operands = 0 : i64, tpu.core_type = #tpu.core_type<tc>} {
    %get3A = arith.constant 0 : index
    %get3A_0 = arith.constant 0 : index
    %get3A_1 = vector.load %arg0[%get3A, %get3A_0] : memref<1024x32xf32, #tpu.memory_space<vmem>>, vector<1024x32xf32>
    %get3A_2 = arith.constant 0 : index
    %get3A_3 = arith.constant 0 : index
    %get3A_4 = arith.constant 0 : index
    %get3A_5 = vector.load %arg1[%get3A_2, %get3A_3, %get3A_4] : memref<1024x32x128xf32, #tpu.memory_space<vmem>>, vector<1024x32x128xf32>
    %slice3A = vector.extract_strided_slice %get3A_5 {offsets = [0, 0, 0], sizes = [1024, 32, 64], strides = [1, 1, 1]} : vector<1024x32x128xf32> to vector<1024x32x64xf32>
    %reduce_max3A = arith.constant dense<0xFF800000> : vector<1024xf32>
    %reduce_max3A_6 = vector.multi_reduction <maximumf>, %get3A_1, %reduce_max3A [1] : vector<1024x32xf32> to vector<1024xf32>
    %broadcast_in_dim3A = vector.shape_cast %reduce_max3A_6 : vector<1024xf32> to vector<1024x1xf32>
    %sub3A = vector.broadcast %broadcast_in_dim3A : vector<1024x1xf32> to vector<1024x32xf32>
    %sub3A_7 = arith.subf %get3A_1, %sub3A : vector<1024x32xf32>
    %exp3A = math.exp %sub3A_7 : vector<1024x32xf32>
    %reduce_sum3A = arith.constant dense<0.000000e+00> : vector<1024xf32>
    %reduce_sum3A_8 = vector.multi_reduction <add>, %exp3A, %reduce_sum3A [1] : vector<1024x32xf32> to vector<1024xf32>
    %broadcast_in_dim3A_9 = vector.shape_cast %reduce_sum3A_8 : vector<1024xf32> to vector<1024x1xf32>
    %div3A = vector.broadcast %broadcast_in_dim3A_9 : vector<1024x1xf32> to vector<1024x32xf32>
    %div3A_10 = arith.divf %exp3A, %div3A : vector<1024x32xf32>
    %broadcast_in_dim3A_11 = vector.shape_cast %div3A_10 : vector<1024x32xf32> to vector<1024x32x1xf32>
    %mul3A = vector.broadcast %broadcast_in_dim3A_11 : vector<1024x32x1xf32> to vector<1024x32x64xf32>
    %mul3A_12 = arith.mulf %mul3A, %slice3A : vector<1024x32x64xf32>
    %reduce_sum3A_13 = arith.constant dense<0.000000e+00> : vector<1024x64xf32>
    %reduce_sum3A_14 = vector.multi_reduction <add>, %mul3A_12, %reduce_sum3A_13 [1] : vector<1024x32x64xf32> to vector<1024x64xf32>
    %swap3A = arith.constant 0 : index
    %swap3A_15 = arith.constant 0 : index
    %swap3A_16 = vector.load %arg2[%swap3A, %swap3A_15] : memref<1024x64xf32, #tpu.memory_space<vmem>>, vector<1024x64xf32>
    tpu.vector_store %arg2[%swap3A, %swap3A_15], %reduce_sum3A_14 {strides = array<i32>} : memref<1024x64xf32, #tpu.memory_space<vmem>>, vector<1024x64xf32>,
    return
  }
}

</mosaic_0001>

<sc_bundles>
// kernel: kernel.11.cloned.1.call-start
scs
__scs_entry_jumppad:
0x0: {  	(pc) =	sbr.rel $0x88, $3  }
0x1: {  	(tag) =	ssettag $0x0;
	lr =	simm.s32 $0x1  }
0x2: {  	[smem:$0x3F9F] =	sst lr;
	_ =	strace $0xD0000000  }
0x3: {  	_ = 	snop  }
0x4: {  	_ = 	snop  }
0x5: {  	_ = 	snop  }
0x6: {  	_ = 	snop  }
0x7: {  	_ = 	snop  }
__scs_overlays_trampoline_lowered:
0x8: {  	[smem:$0x3FAE] =	sst s0  }
0x9: {  	[smem:$0x3FAF] =	sst s1  }
0xa: {  	[smem:$0x3FB0] =	sst s2  }
0xb: {  	[smem:$0x3FB1] =	sst s3  }
0xc: {  	[smem:$0x3FB2] =	sst s4  }
0xd: {  	[smem:$0x3FB3] =	sst s5  }
0xe: {  	[smem:$0x3FB4] =	sst s6  }
0xf: {  	[smem:$0x3FB5] =	sst s7  }
0x10: {  	[smem:$0x3FB6] =	sst s8  }
0x11: {  	[smem:$0x3FB7] =	sst s9;
	s0 =	simm.s32 @!p0 $0x0  }
0x12: {  	s1 =	sld [smem:$0x3F9D];
	s0 =	simm.s32 @p0 $0x1  }
0x13: {  	[smem:$0x3FB8] =	sst s0;
	s0 =	simm.s32 @!p1 $0x0  }
0x14: {  	s2 =	sld [smem:$0x3F9C];
	s0 =	simm.s32 @p1 $0x1  }
0x15: {  	[smem:$0x3FB9] =	sst s0;
	s0 =	simm.s32 @!p2 $0x0  }
0x16: {  	s3 =	sld [smem:$0x3FDB];
	s0 =	simm.s32 @p2 $0x1  }
0x17: {  	s4 =	simm.s32 $0x1BF5;
	[smem:$0x3FBB] =	sst s0  }
0x18: {  	s0 =	sld [smem:$0x3F9E];
	_ =	swait.ge [sflag:s4], $0x0  }
0x19: {  	s7 =	sld [smem:$0x3F9F]  }
0x1a: {  	s8 =	sadd.s32 $0xFFFFE003, lr  }
0x1b: {  	s9 =	sadd.s32 $0xFFFFFEF7, lr;
	s5 =	simm.s32 $0xFFFFFFFF;
	p2 =	slt.u32 s8, $0xFFFFF086  }
0x1c: {  	p1 =	slt.u32 s9, $0xF7A;
	s5 =	simm.s32 @!p2 $0x0  }
0x1d: {  	s5 =	simm.s32 @p1 $0x1;
	p0 =	seq.s32 s7, s2  }
0x1e: {  	s7 =	smul.u32 @!p0 $0xF7A, s2;
	p2 =	seq.s32 @!p0 s5, $0x0  }
0x1f: {  	s9 =	smul.u32 $0xF7A, s1;
	s8 =	simm.s32 @!p0 $0x1BF5;
	p2 =	por !p2, p0  }
0x20: {  	[sflag:s8] =	ssyncset.s32 @!p0 $0xFFFFF086;
	s6 =	sadd.s32 @!p0 s3, s7;
	s7 =	simm.s32 @!p0 $0x108  }
0x21: {  	s3 =	sadd.s32 s3, s9;
	s6 =	sadd.s32 @!p0 $0x88, s6;
	s7 =	simm.s32 @p2 $0x1082  }
0x22: {  	[simem:s7], [sflag:s8] =	dma.local @!p0 [hbm:s6], $0xF7A  }
0x23: {  	s9 =	sor.u32 $0xD0000000, s2;
	s6 =	simm.s32 $0x108;
	_ =	swait.ge @!p0 [sflag:s8], $0x0  }
0x24: {  	s3 =	sadd.s32 $0x88, s3;
	s6 =	simm.s32 @!p1 $0x1082;
	[sflag:s4] =	ssyncset.s32 $0xFFFFF086  }
0x25: {  	[simem:s6], [sflag:s4] =	dma.local [hbm:s3], $0xF7A  }
0x26: {  	[smem:$0x3F9F] =	sst s1;
	(tag) =	ssettag s2;
	_ =	strace s9  }
0x27: {  	s1 =	sld [smem:$0x3FAF]  }
0x28: {  	s2 =	sld [smem:$0x3FB0]  }
0x29: {  	s4 =	sld [smem:$0x3FB2]  }
0x2a: {  	p0 =	seq.s32 s5, $0x0;
	s5 =	sld [smem:$0x3FB3]  }
0x2b: {  	s6 =	sld [smem:$0x3FB4]  }
0x2c: {  	s7 =	sld [smem:$0x3FB5]  }
0x2d: {  	s3 =	simm.s32 $0x108;
	s8 =	sld [smem:$0x3FB6]  }
0x2e: {  	s3 =	simm.s32 @!p0 $0x1082;
	s9 =	sld [smem:$0x3FB7]  }
0x2f: {  	lr =	sadd.s32 s0, s3;
	s0 =	sld [smem:$0x3FAE]  }
0x30: {  	s3 =	sld [smem:$0x3FB1]  }
0x31: {  	[smem:$0x3FBA] =	sst s10  }
0x32: {  	s10 =	sld [smem:$0x3FB8];
	_ =	sdelay $0x3  }
0x33: {  	p0 =	seq.s32 s10, $0x1;
	s10 =	sld [smem:$0x3FBA];
	_ =	sdelay $0x3  }
0x34: {  	[smem:$0x3FBA] =	sst s10  }
0x35: {  	s10 =	sld [smem:$0x3FB9];
	_ =	sdelay $0x3  }
0x36: {  	p1 =	seq.s32 s10, $0x1;
	s10 =	sld [smem:$0x3FBA];
	_ =	sdelay $0x3  }
0x37: {  	[smem:$0x3FBA] =	sst s10  }
0x38: {  	s10 =	sld [smem:$0x3FBB]  }
0x39: {  	_ = 	snop;
	(pc) =	sbr.ind lr, $3  }
0x3a: {  	_ = 	snop  }
0x3b: {  	_ = 	snop  }
0x3c: {  	p2 =	seq.s32 s10, $0x1;
	s10 =	sld [smem:$0x3FBA]  }
0x3d: {  	_ =	shalt  }
0x3e: {  	_ =	shalt  }
0x3f: {  	_ =	shalt  }
0x40: {  	_ =	shalt  }
0x41: {  	_ =	shalt  }
0x42: {  	_ =	shalt  }
0x43: {  	_ =	shalt  }
0x44: {  	_ =	shalt  }
0x45: {  	_ =	shalt  }
0x46: {  	_ =	shalt  }
0x47: {  	_ =	shalt  }
0x48: {  	_ =	shalt  }
0x49: {  	_ =	shalt  }
0x4a: {  	_ =	shalt  }
0x4b: {  	_ =	shalt  }
0x4c: {  	_ =	shalt  }
0x4d: {  	_ =	shalt  }
0x4e: {  	_ =	shalt  }
0x4f: {  	_ =	shalt  }
0x50: {  	_ =	shalt  }
0x51: {  	_ =	shalt  }
0x52: {  	_ =	shalt  }
0x53: {  	_ =	shalt  }
0x54: {  	_ =	shalt  }
0x55: {  	_ =	shalt  }
0x56: {  	_ =	shalt  }
0x57: {  	_ =	shalt  }
0x58: {  	_ =	shalt  }
0x59: {  	_ =	shalt  }
0x5a: {  	_ =	shalt  }
0x5b: {  	_ =	shalt  }
0x5c: {  	_ =	shalt  }
0x5d: {  	_ =	shalt  }
0x5e: {  	_ =	shalt  }
0x5f: {  	_ =	shalt  }
0x60: {  	_ =	shalt  }
0x61: {  	_ =	shalt  }
0x62: {  	_ =	shalt  }
0x63: {  	_ =	shalt  }
0x64: {  	_ =	shalt  }
0x65: {  	_ =	shalt  }
0x66: {  	_ =	shalt  }
0x67: {  	_ =	shalt  }
0x68: {  	_ =	shalt  }
0x69: {  	_ =	shalt  }
0x6a: {  	_ =	shalt  }
0x6b: {  	_ =	shalt  }
0x6c: {  	_ =	shalt  }
0x6d: {  	_ =	shalt  }
0x6e: {  	_ =	shalt  }
0x6f: {  	_ =	shalt  }
0x70: {  	_ =	shalt  }
0x71: {  	_ =	shalt  }
0x72: {  	_ =	shalt  }
0x73: {  	_ =	shalt  }
0x74: {  	_ =	shalt  }
0x75: {  	_ =	shalt  }
0x76: {  	_ =	shalt  }
0x77: {  	_ =	shalt  }
0x78: {  	_ =	shalt  }
0x79: {  	_ =	shalt  }
0x7a: {  	_ =	shalt  }
0x7b: {  	_ =	shalt  }
0x7c: {  	_ =	shalt  }
0x7d: {  	_ =	shalt  }
0x7e: {  	_ =	shalt  }
0x7f: {  	_ =	shalt  }
0x80: {  	_ =	shalt  }
0x81: {  	_ =	shalt  }
0x82: {  	_ =	shalt  }
0x83: {  	_ =	shalt  }
0x84: {  	_ =	shalt  }
0x85: {  	_ =	shalt  }
0x86: {  	_ =	shalt  }
0x87: {  	_ =	shalt  }
.Lfunc_end0:
.L_simem_size_0:
called_computation.1_lowered:
.L_overlay_start_0:
0x88: {  	s2 =	sld [smem:$0x3FD9]  }
0x89: {  	s3 =	sld [smem:$0x3FFE];
	_ =	sdelay $0x1  }
0x8a: {  	s1 =	srdreg.scid  }
0x8b: {  	s0 =	sand.u32 $0x1, s1  }
0x8c: {  	s14 =	sshll.u32 s0, $0xA;
	s2 =	sadd.s32 s3, s2  }
0x8d: {  	s2 =	sadd.s32 s2, s14  }
0x8e: {  	[smem:$0x3FC6] =	sst s2  }
0x8f: {  	_ = 	snop  }
0x90: {  	s2 =	sld [smem:$0x3FD0];
	_ =	sdelay $0x2  }
0x91: {  	s15 =	simm.s32 $0xA;
	s4 =	simm.s32 $0x10  }
0x92: {  	[smem:s4], [sflag:s15] =	dma.local [hbm:s2], $0x1  }
0x93: {  	_ =	swait.eq [sflag:s15], $0x1  }
0x94: {  	[sflag:s15] =	ssyncset.done $0x0  }
0x95: {  	[sflag:s15] =	ssyncadd.s32 $0xFFFFFFFF  }
0x96: {  	s16 =	sld [smem:$0x10];
	(tm) =	ssettm $0x1  }
0x97: {  	s17 =	sld [smem:$0x3FFB];
	_ =	sdelay $0x3  }
0x98: {  	_ =	strace s17  }
0x99: {  	s3 =	sld [smem:$0x3FFC];
	_ =	sdelay $0x3  }
0x9a: {  	_ =	strace s3  }
0x9b: {  	s3 =	sld [smem:$0x3FFD];
	_ =	sdelay $0x3  }
0x9c: {  	_ =	strace s3  }
0x9d: {  	_ =	strace $0x8FFFFFFF  }
0x9e: {  	s18 =	sld [smem:$0x3FDB];
	_ =	sdelay $0x1  }
0x9f: {  	s19 =	simm.s32 $_scs_section_size  }
0xa0: {  	s5 =	simm.s32 $_size__tile_overlayer_lowered;
	s6 =	simm.s32 $_tile_overlayer_lowered  }
0xa1: {  	s22 =	simm.s32 $0x1BFF;
	s21 =	sshll.u32 s6, $0x1;
	s3 =	sadd.s32 s19, s18  }
0xa2: {  	s7 =	simm.s32 $0x0;
	s20 =	sshll.u32 s5, $0x1;
	s5 =	sadd.s32 s21, s3  }
0xa3: {  	[timem:s7], [sflag:s22] =	dma.local [hbm:s5], s20  }
0xa4: {  	_ =	swait.ge [sflag:s22], s20  }
0xa5: {  	s4 =	ssub.s32 $0x0, s20;
	[sflag:s22] =	ssyncset.done $0x0  }
0xa6: {  	[sflag:s22] =	ssyncadd.s32 s4;
	_ =	sdelay $0x1  }
0xa7: {  	s23 =	simm.s32 $0x1B8B  }
0xa8: {  	_ =	swait.ge [sflag:s23], $0x1  }
0xa9: {  	[sflag:s23] =	ssyncset.done $0x0  }
0xaa: {  	s25 =	simm.s32 $0x1B8E;
	s24 =	sld [smem:$0x3FFE];
	[sflag:s23] =	ssyncadd.s32 $0xFFFFFFFF  }
0xab: {  	s26 =	simm.s32 $execute0_lowered;
	[smem:$0x3FD2] =	sst s25  }
0xac: {  	s5 =	sshll.u32 s26, $0x1;
	_ =	strace $0x80000049;
	[dreg:$0x1] =	wrdreg $0xFFFFFFFF  }
0xad: {  	s28 =	simm.s32 $_size_execute0_lowered;
	s3 =	sadd.s32 s3, s5;
	[dreg:$0x0] =	wrdreg $0x0  }
0xae: {  	s5 =	sshll.u32 s28, $0x1;
	[dreg:$0x2] =	wrdreg s3  }
0xaf: {  	[dreg:$0x3] =	wrdreg s5  }
0xb0: {  	[dreg:$0x4] =	wrdreg $0xC0  }
0xb1: {  	_ =	task [dreg:s7], $0x5FFFF  }
0xb2: {  	[dreg:$0x1] =	wrdreg $0xFFFFFFFF  }
0xb3: {  	[dreg:$0x0] =	wrdreg $0x60  }
0xb4: {  	[dreg:$0x2] =	wrdreg s24  }
0xb5: {  	[dreg:$0x3] =	wrdreg s16  }
0xb6: {  	[dreg:$0x4] =	wrdreg $0x9  }
0xb7: {  	_ =	task.clear_ibuf [dreg:s7], $0x5FFFF;
	_ =	strace $0x90000049  }
0xb8: {  	s29 =	simm.s32 $0x9;
	_ =	strace $0x8000004B  }
0xb9: {  	_ =	swait.ge [sflag:s29], $0x1  }
0xba: {  	[sflag:s29] =	ssyncadd.s32 $0xFFFFFFFF  }
0xbb: {  	_ =	strace $0x9000004B  }
0xbc: {  	_ =	sfence  }
0xbd: {  	s30 =	sld [smem:$0x0];
	_ =	sdelay $0x2  }
0xbe: {  	s31 =	sshll.u32 s1, $0xD;
	s1 =	sshrl.u32 s1, $0x2  }
0xbf: {  	s3 =	sand.u32 $0x4000, s31;
	s1 =	sadd.s32 s1, s30  }
0xc0: {  	s0 =	sor.u32 s3, s0;
	s1 =	sshll.u32 s1, $0x11  }
0xc1: {  	s0 =	sor.u32 s1, s0  }
0xc2: {  	s0 =	sadd.s32 $0x8F2B, s0  }
0xc3: {  	[sflag:s0] =	ssyncadd.remote.s32 $0x1  }
0xc4: {  	_ =	sfence.sel $0xFFFF  }
0xc5: {  	[dreg:$0x0] =	wrdreg $0xFFFFFFFF;
	(pc) =	sbr.abs _section_cstart, $3  }
0xc6: {  	[dreg:$0x1] =	wrdreg $0xFFFFFFFF  }
0xc7: {  	_ =	task.clear_ibuf [dreg:s7], $0x2FFFF;
	_ =	strace $0x9FFFFFFF  }
0xc8: {  	(tm) =	ssettm $0x7FFFFFFF  }
0xc9: {  	_ =	shalt  }
tec
execute0_lowered:
.L_overlay_start_1:
0x0: {  	(tag) =	ssettag $0x1  }
0x1: {  	s1 =	srdreg.scid  }
0x2: {  	s14 =	rddreg [dreg:$0x0];
	s0 =	stileid.u32;
	s29 =	sand.u32 $0x1, s1  }
0x3: {  	s3 =	rddreg [dreg:$0x1];
	s4 =	sshll.u32 s0, $0xB;
	s5 =	sshll.u32 s29, $0xA  }
0x4: {  	s2 =	simm.s32 $0x0;
	s1 =	rddreg [dreg:$0x2];
	s15 =	sor.u32 s5, s4  }
0x5: {  	[smem:$0x7FF] =	sst s2;
	s4 =	sshrl.u32 s15, $0x3  }
0x6: {  	_ =	strace $0x8000004A;
	s4 =	sadd.s32 s3, s4;
	s3 =	simm.s32 $0x5  }
0x7: {  	[tilespmem:s2], [sflag:$0x5] =	stream.linear.gather [hbm4b:s4+s2], $0x400, $0x38;
	[tilespmem:$0x10400] =	vst v63  }
0x8: {  	_ =	swait.ge [sflag:s3], $0x400  }
0x9: {  	s6 =	simm.s32 $0x80;
	[sflag:s3] =	ssyncset.done $0x0  }
0xa: {  	s7 =	simm.s32 $0x400;
	s5 =	sadd.s32 $0x22B600, s14;
	[sflag:s3] =	ssyncadd.s32 $0xFFFFFC00  }
0xb: {  	[tilespmem:s7], [sflag:$0x1] =	stream.indirect.gather [hbm4b:s5+s6], $0x80, s2, s6, $0xb8;
	[tilespmem:$0x10400] =	vst v63  }
0xc: {  	s8 =	simm.s32 $0x4400  }
0xd: {  	[tilespmem:s8], [sflag:$0x2] =	stream.indirect.gather [hbm4b:s5+s6], $0x80, s6, s6, $0xb8;
	[tilespmem:$0x10400] =	vst v63  }
0xe: {  	s9 =	simm.s32 $0x100;
	s10 =	simm.s32 $0x8400  }
0xf: {  	[tilespmem:s10], [sflag:$0x3] =	stream.indirect.gather [hbm4b:s5+s6], $0x80, s9, s6, $0xb8;
	[tilespmem:$0x10400] =	vst v63  }
0x10: {  	s11 =	simm.s32 $0x180;
	s12 =	simm.s32 $0xC400;
	s13 =	simm.s32 $0x1  }
0x11: {  	[tilespmem:s12], [sflag:$0x4] =	stream.indirect.gather [hbm4b:s5+s6], $0x80, s11, s6, $0xb8;
	[tilespmem:$0x10400] =	vst v63  }
0x12: {  	s15 =	sshll.u32 s15, $0x4;
	_ =	swait.ge [sflag:s13], $0x4000  }
0x13: {  	s30 =	sadd.s32 s15, s14;
	[sflag:s13] =	ssyncset.done $0x0  }
0x14: {  	s14 =	sadd.s32 $0xC00, s30;
	[sflag:s13] =	ssyncadd.s32 $0xFFFFC000  }
0x15: {  	[hbm4b:s14+s2] =	stream.linear.scatter [tilespmem:s7], [sflag:$0x5], $0x4000, $0x38;
	[tilespmem:$0x10400] =	vst v63  }
0x16: {  	_ =	swait.ge [sflag:s3], $0x4000  }
0x17: {  	[sflag:s3] =	ssyncset.done $0x0  }
0x18: {  	s16 =	simm.s32 $0x2;
	s15 =	simm.s32 $0x200;
	[sflag:s3] =	ssyncadd.s32 $0xFFFFC000  }
0x19: {  	[tilespmem:s7], [sflag:$0x1] =	stream.indirect.gather [hbm4b:s5+s6], $0x80, s15, s6, $0xb8;
	[tilespmem:$0x10400] =	vst v63  }
0x1a: {  	_ =	swait.ge [sflag:s16], $0x4000  }
0x1b: {  	[sflag:s16] =	ssyncset.done $0x0  }
0x1c: {  	s17 =	sadd.s32 $0x1400, s30;
	[sflag:s16] =	ssyncadd.s32 $0xFFFFC000  }
0x1d: {  	[hbm4b:s17+s2] =	stream.linear.scatter [tilespmem:s8], [sflag:$0x5], $0x4000, $0x38;
	[tilespmem:$0x10400] =	vst v63  }
0x1e: {  	_ =	swait.ge [sflag:s3], $0x4000  }
0x1f: {  	[sflag:s3] =	ssyncset.done $0x0  }
0x20: {  	s18 =	simm.s32 $0x280;
	s19 =	simm.s32 $0x3;
	[sflag:s3] =	ssyncadd.s32 $0xFFFFC000  }
0x21: {  	[tilespmem:s8], [sflag:$0x2] =	stream.indirect.gather [hbm4b:s5+s6], $0x80, s18, s6, $0xb8;
	[tilespmem:$0x10400] =	vst v63  }
0x22: {  	_ =	swait.ge [sflag:s19], $0x4000  }
0x23: {  	[sflag:s19] =	ssyncset.done $0x0  }
0x24: {  	s20 =	sadd.s32 $0x1C00, s30;
	[sflag:s19] =	ssyncadd.s32 $0xFFFFC000  }
0x25: {  	[hbm4b:s20+s2] =	stream.linear.scatter [tilespmem:s10], [sflag:$0x5], $0x4000, $0x38;
	[tilespmem:$0x10400] =	vst v63  }
0x26: {  	_ =	swait.ge [sflag:s3], $0x4000  }
0x27: {  	[sflag:s3] =	ssyncset.done $0x0  }
0x28: {  	s21 =	simm.s32 $0x300;
	s22 =	simm.s32 $0x4;
	[sflag:s3] =	ssyncadd.s32 $0xFFFFC000  }
0x29: {  	[tilespmem:s10], [sflag:$0x3] =	stream.indirect.gather [hbm4b:s5+s6], $0x80, s21, s6, $0xb8;
	[tilespmem:$0x10400] =	vst v63  }
0x2a: {  	_ =	swait.ge [sflag:s22], $0x4000  }
0x2b: {  	[sflag:s22] =	ssyncset.done $0x0  }
0x2c: {  	s23 =	sadd.s32 $0x2400, s30;
	[sflag:s22] =	ssyncadd.s32 $0xFFFFC000  }
0x2d: {  	[hbm4b:s23+s2] =	stream.linear.scatter [tilespmem:s12], [sflag:$0x5], $0x4000, $0x38;
	[tilespmem:$0x10400] =	vst v63  }
0x2e: {  	_ =	swait.ge [sflag:s3], $0x4000  }
0x2f: {  	[sflag:s3] =	ssyncset.done $0x0  }
0x30: {  	s24 =	simm.s32 $0x380;
	[sflag:s3] =	ssyncadd.s32 $0xFFFFC000  }
0x31: {  	[tilespmem:s12], [sflag:$0x4] =	stream.indirect.gather [hbm4b:s5+s6], $0x80, s24, s6, $0xb8;
	[tilespmem:$0x10400] =	vst v63  }
0x32: {  	_ =	swait.ge [sflag:s13], $0x4000  }
0x33: {  	[sflag:s13] =	ssyncset.done $0x0  }
0x34: {  	s25 =	sadd.s32 $0x2C00, s30;
	[sflag:s13] =	ssyncadd.s32 $0xFFFFC000  }
0x35: {  	[hbm4b:s25+s2] =	stream.linear.scatter [tilespmem:s7], [sflag:$0x5], $0x4000, $0x38;
	[tilespmem:$0x10400] =	vst v63  }
0x36: {  	_ =	swait.ge [sflag:s3], $0x4000  }
0x37: {  	[sflag:s3] =	ssyncset.done $0x0  }
0x38: {  	[sflag:s3] =	ssyncadd.s32 $0xFFFFC000  }
0x39: {  	_ =	swait.ge [sflag:s16], $0x4000  }
0x3a: {  	[sflag:s16] =	ssyncset.done $0x0  }
0x3b: {  	s26 =	sadd.s32 $0x3400, s30;
	[sflag:s16] =	ssyncadd.s32 $0xFFFFC000  }
0x3c: {  	[hbm4b:s26+s2] =	stream.linear.scatter [tilespmem:s8], [sflag:$0x5], $0x4000, $0x38;
	[tilespmem:$0x10400] =	vst v63  }
0x3d: {  	_ =	swait.ge [sflag:s3], $0x4000  }
0x3e: {  	[sflag:s3] =	ssyncset.done $0x0  }
0x3f: {  	[sflag:s3] =	ssyncadd.s32 $0xFFFFC000  }
0x40: {  	_ =	swait.ge [sflag:s19], $0x4000  }
0x41: {  	[sflag:s19] =	ssyncset.done $0x0  }
0x42: {  	s29 =	ssub.s32 $0x2, s29;
	s28 =	sadd.s32 $0x3C00, s30;
	[sflag:s19] =	ssyncadd.s32 $0xFFFFC000  }
0x43: {  	[hbm4b:s28+s2] =	stream.linear.scatter [tilespmem:s10], [sflag:$0x5], $0x4000, $0x38;
	[tilespmem:$0x10400] =	vst v63  }
0x44: {  	s31 =	sshrl.u32 s29, $0x1;
	_ =	swait.ge [sflag:s3], $0x4000  }
0x45: {  	s31 =	ssub.s32 s29, s31;
	[sflag:s3] =	ssyncset.done $0x0  }
0x46: {  	s29 =	sadd.s32 $0x4400, s30;
	s30 =	smax.u32 s31, $0x1;
	[sflag:s3] =	ssyncadd.s32 $0xFFFFC000  }
0x47: {  	p0 =	sne.s32 s30, $0x1;
	_ =	swait.ge [sflag:s22], $0x4000  }
.Ltmp0:
0x48: {  	[sflag:s22] =	ssyncset.done $0x0;
	(pc) =	sbr.rel @!p0 .LBB2_2-.Ltmp0, $4  }
0x49: {  	[sflag:s22] =	ssyncadd.s32 $0xFFFFC000  }
0x4a: {  	[hbm4b:s29+s2] =	stream.linear.scatter [tilespmem:s12], [sflag:$0x5], $0x4000, $0x38;
	[tilespmem:$0x10400] =	vst v63  }
0x4b: {  	_ =	swait.ge [sflag:s3], $0x4000  }
0x4c: {  	s30 =	sadd.s32 $0xFFFFFFFF, s30;
	[sflag:s3] =	ssyncset.done $0x0  }
.LBB2_1:
0x4d: {  	p0 =	sne.s32 s30, $0x1;
	s30 =	sadd.s32 $0xFFFFFFFF, s30;
	[sflag:s3] =	ssyncadd.s32 $0xFFFFC000  }
0x4e: {  	[tilespmem:s2], [sflag:$0x5] =	stream.linear.gather [hbm4b:s4+s2], $0x400, $0x38;
	[tilespmem:$0x10400] =	vst v63  }
0x4f: {  	_ =	swait.ge [sflag:s3], $0x400  }
0x50: {  	[sflag:s3] =	ssyncset.done $0x0  }
0x51: {  	[sflag:s3] =	ssyncadd.s32 $0xFFFFFC00  }
0x52: {  	[tilespmem:s7], [sflag:$0x1] =	stream.indirect.gather [hbm4b:s5+s6], $0x80, s2, s6, $0xb8;
	[tilespmem:$0x10400] =	vst v63  }
0x53: {  	_ = 	snop  }
0x54: {  	[tilespmem:s8], [sflag:$0x2] =	stream.indirect.gather [hbm4b:s5+s6], $0x80, s6, s6, $0xb8;
	[tilespmem:$0x10400] =	vst v63  }
0x55: {  	_ = 	snop  }
0x56: {  	[tilespmem:s10], [sflag:$0x3] =	stream.indirect.gather [hbm4b:s5+s6], $0x80, s9, s6, $0xb8;
	[tilespmem:$0x10400] =	vst v63  }
0x57: {  	_ = 	snop  }
0x58: {  	[tilespmem:s12], [sflag:$0x4] =	stream.indirect.gather [hbm4b:s5+s6], $0x80, s11, s6, $0xb8;
	[tilespmem:$0x10400] =	vst v63  }
0x59: {  	_ =	swait.ge [sflag:s13], $0x4000  }
0x5a: {  	[sflag:s13] =	ssyncset.done $0x0  }
0x5b: {  	[sflag:s13] =	ssyncadd.s32 $0xFFFFC000  }
0x5c: {  	[hbm4b:s14+s2] =	stream.linear.scatter [tilespmem:s7], [sflag:$0x5], $0x4000, $0x38;
	[tilespmem:$0x10400] =	vst v63  }
0x5d: {  	_ =	swait.ge [sflag:s3], $0x4000  }
0x5e: {  	[sflag:s3] =	ssyncset.done $0x0  }
0x5f: {  	[sflag:s3] =	ssyncadd.s32 $0xFFFFC000  }
0x60: {  	[tilespmem:s7], [sflag:$0x1] =	stream.indirect.gather [hbm4b:s5+s6], $0x80, s15, s6, $0xb8;
	[tilespmem:$0x10400] =	vst v63  }
0x61: {  	_ =	swait.ge [sflag:s16], $0x4000  }
0x62: {  	[sflag:s16] =	ssyncset.done $0x0  }
0x63: {  	[sflag:s16] =	ssyncadd.s32 $0xFFFFC000  }
0x64: {  	[hbm4b:s17+s2] =	stream.linear.scatter [tilespmem:s8], [sflag:$0x5], $0x4000, $0x38;
	[tilespmem:$0x10400] =	vst v63  }
0x65: {  	_ =	swait.ge [sflag:s3], $0x4000  }
0x66: {  	[sflag:s3] =	ssyncset.done $0x0  }
0x67: {  	[sflag:s3] =	ssyncadd.s32 $0xFFFFC000  }
0x68: {  	[tilespmem:s8], [sflag:$0x2] =	stream.indirect.gather [hbm4b:s5+s6], $0x80, s18, s6, $0xb8;
	[tilespmem:$0x10400] =	vst v63  }
0x69: {  	_ =	swait.ge [sflag:s19], $0x4000  }
0x6a: {  	[sflag:s19] =	ssyncset.done $0x0  }
0x6b: {  	[sflag:s19] =	ssyncadd.s32 $0xFFFFC000  }
0x6c: {  	[hbm4b:s20+s2] =	stream.linear.scatter [tilespmem:s10], [sflag:$0x5], $0x4000, $0x38;
	[tilespmem:$0x10400] =	vst v63  }
0x6d: {  	_ =	swait.ge [sflag:s3], $0x4000  }
0x6e: {  	[sflag:s3] =	ssyncset.done $0x0  }
0x6f: {  	[sflag:s3] =	ssyncadd.s32 $0xFFFFC000  }
0x70: {  	[tilespmem:s10], [sflag:$0x3] =	stream.indirect.gather [hbm4b:s5+s6], $0x80, s21, s6, $0xb8;
	[tilespmem:$0x10400] =	vst v63  }
0x71: {  	_ =	swait.ge [sflag:s22], $0x4000  }
0x72: {  	[sflag:s22] =	ssyncset.done $0x0  }
0x73: {  	[sflag:s22] =	ssyncadd.s32 $0xFFFFC000  }
0x74: {  	[hbm4b:s23+s2] =	stream.linear.scatter [tilespmem:s12], [sflag:$0x5], $0x4000, $0x38;
	[tilespmem:$0x10400] =	vst v63  }
0x75: {  	_ =	swait.ge [sflag:s3], $0x4000  }
0x76: {  	[sflag:s3] =	ssyncset.done $0x0  }
0x77: {  	[sflag:s3] =	ssyncadd.s32 $0xFFFFC000  }
0x78: {  	[tilespmem:s12], [sflag:$0x4] =	stream.indirect.gather [hbm4b:s5+s6], $0x80, s24, s6, $0xb8;
	[tilespmem:$0x10400] =	vst v63  }
0x79: {  	_ =	swait.ge [sflag:s13], $0x4000  }
0x7a: {  	[sflag:s13] =	ssyncset.done $0x0  }
0x7b: {  	[sflag:s13] =	ssyncadd.s32 $0xFFFFC000  }
0x7c: {  	[hbm4b:s25+s2] =	stream.linear.scatter [tilespmem:s7], [sflag:$0x5], $0x4000, $0x38;
	[tilespmem:$0x10400] =	vst v63  }
0x7d: {  	_ =	swait.ge [sflag:s3], $0x4000  }
0x7e: {  	[sflag:s3] =	ssyncset.done $0x0  }
0x7f: {  	[sflag:s3] =	ssyncadd.s32 $0xFFFFC000  }
0x80: {  	_ =	swait.ge [sflag:s16], $0x4000  }
0x81: {  	[sflag:s16] =	ssyncset.done $0x0  }
0x82: {  	[sflag:s16] =	ssyncadd.s32 $0xFFFFC000  }
0x83: {  	[hbm4b:s26+s2] =	stream.linear.scatter [tilespmem:s8], [sflag:$0x5], $0x4000, $0x38;
	[tilespmem:$0x10400] =	vst v63  }
0x84: {  	_ =	swait.ge [sflag:s3], $0x4000  }
0x85: {  	[sflag:s3] =	ssyncset.done $0x0  }
0x86: {  	[sflag:s3] =	ssyncadd.s32 $0xFFFFC000  }
0x87: {  	_ =	swait.ge [sflag:s19], $0x4000  }
0x88: {  	[sflag:s19] =	ssyncset.done $0x0  }
0x89: {  	[sflag:s19] =	ssyncadd.s32 $0xFFFFC000  }
0x8a: {  	[hbm4b:s28+s2] =	stream.linear.scatter [tilespmem:s10], [sflag:$0x5], $0x4000, $0x38;
	[tilespmem:$0x10400] =	vst v63  }
0x8b: {  	_ =	swait.ge [sflag:s3], $0x4000  }
0x8c: {  	[sflag:s3] =	ssyncset.done $0x0  }
0x8d: {  	[sflag:s3] =	ssyncadd.s32 $0xFFFFC000  }
0x8e: {  	_ =	swait.ge [sflag:s22], $0x4000  }
.Ltmp1:
0x8f: {  	[sflag:s22] =	ssyncset.done $0x0;
	(pc) =	sbr.rel @p0 .LBB2_1-.Ltmp1, $4  }
0x90: {  	[sflag:s22] =	ssyncadd.s32 $0xFFFFC000  }
0x91: {  	[hbm4b:s29+s2] =	stream.linear.scatter [tilespmem:s12], [sflag:$0x5], $0x4000, $0x38;
	[tilespmem:$0x10400] =	vst v63  }
0x92: {  	_ =	swait.ge [sflag:s3], $0x4000  }
0x93: {  	[sflag:s3] =	ssyncset.done $0x0  }
.LBB2_2:
0x94: {  	[sflag:s3] =	ssyncadd.s32 $0xFFFFC000  }
0x95: {  	_ =	sfence.sel $0x180000  }
0x96: {  	[bflag:$0x0] =	sbarrier.arrive $0xFFFF  }
0x97: {  	p0 =	sne.s32 s0, $0x0;
	_ =	strace $0x9000004A  }
0x98: {  	s0 =	sadd.s32 @!p0 $0x100000, s1;
	[bflag:$0x2] =	sbarrier.arrive $0xFFFF  }
0x99: {  	[sflag:s0] =	ssyncadd.tile.s32 @!p0 $0x1;
	_ =	shalt  }
.Lfunc_end2:
_tile_overlayer_lowered:
.L_overlay_start_2:
0x9a: {  	(tag) =	ssettag $0x2  }
0x9b: {  	s0 =	rddreg [dreg:$0x0];
	s2 =	stileid.u32  }
0x9c: {  	s1 =	rddreg [dreg:$0x1];
	p0 =	sne.s32 s2, $0x0  }
0x9d: {  	s3 =	rddreg [dreg:$0x2];
	[bflag:$0x3] =	sbarrier.arrive $0xFFFF;
	s2 =	simm.s32 @!p0 $0x1C05  }
0x9e: {  	[timem:s3], [sflag:s2] =	dma.local @!p0 [hbm:s0], s1  }
0x9f: {  	s0 =	simm.s32 @!p0 $0x5  }
0xa0: {  	_ =	swait.ge @!p0 [sflag:s0], s1  }
0xa1: {  	s1 =	ssub.s32 @!p0 $0x0, s1;
	[sflag:s0] =	ssyncset.done @!p0 $0x0  }
0xa2: {  	[sflag:s0] =	ssyncadd.s32 @!p0 s1  }
0xa3: {  	[bflag:$0x3] =	sbarrier.arrive $0xFFFF  }
0xa4: {  	_ =	shalt  }

// kernel: kernel.8.cloned.1.call-start
scs
__scs_entry_jumppad:
0x0: {  	(pc) =	sbr.rel $0x88, $3  }
0x1: {  	(tag) =	ssettag $0x0;
	lr =	simm.s32 $0x1  }
0x2: {  	[smem:$0x3F9F] =	sst lr;
	_ =	strace $0xD0000000  }
0x3: {  	_ = 	snop  }
0x4: {  	_ = 	snop  }
0x5: {  	_ = 	snop  }
0x6: {  	_ = 	snop  }
0x7: {  	_ = 	snop  }
__scs_overlays_trampoline_lowered:
0x8: {  	[smem:$0x3FAE] =	sst s0  }
0x9: {  	[smem:$0x3FAF] =	sst s1  }
0xa: {  	[smem:$0x3FB0] =	sst s2  }
0xb: {  	[smem:$0x3FB1] =	sst s3  }
0xc: {  	[smem:$0x3FB2] =	sst s4  }
0xd: {  	[smem:$0x3FB3] =	sst s5  }
0xe: {  	[smem:$0x3FB4] =	sst s6  }
0xf: {  	[smem:$0x3FB5] =	sst s7  }
0x10: {  	[smem:$0x3FB6] =	sst s8  }
0x11: {  	[smem:$0x3FB7] =	sst s9;
	s0 =	simm.s32 @!p0 $0x0  }
0x12: {  	s1 =	sld [smem:$0x3F9D];
	s0 =	simm.s32 @p0 $0x1  }
0x13: {  	[smem:$0x3FB8] =	sst s0;
	s0 =	simm.s32 @!p1 $0x0  }
0x14: {  	s2 =	sld [smem:$0x3F9C];
	s0 =	simm.s32 @p1 $0x1  }
0x15: {  	[smem:$0x3FB9] =	sst s0;
	s0 =	simm.s32 @!p2 $0x0  }
0x16: {  	s3 =	sld [smem:$0x3FDB];
	s0 =	simm.s32 @p2 $0x1  }
0x17: {  	s4 =	simm.s32 $0x1BF5;
	[smem:$0x3FBB] =	sst s0  }
0x18: {  	s0 =	sld [smem:$0x3F9E];
	_ =	swait.ge [sflag:s4], $0x0  }
0x19: {  	s7 =	sld [smem:$0x3F9F]  }
0x1a: {  	s8 =	sadd.s32 $0xFFFFE003, lr  }
0x1b: {  	s9 =	sadd.s32 $0xFFFFFEF7, lr;
	s5 =	simm.s32 $0xFFFFFFFF;
	p2 =	slt.u32 s8, $0xFFFFF086  }
0x1c: {  	p1 =	slt.u32 s9, $0xF7A;
	s5 =	simm.s32 @!p2 $0x0  }
0x1d: {  	s5 =	simm.s32 @p1 $0x1;
	p0 =	seq.s32 s7, s2  }
0x1e: {  	s7 =	smul.u32 @!p0 $0xF7A, s2;
	p2 =	seq.s32 @!p0 s5, $0x0  }
0x1f: {  	s9 =	smul.u32 $0xF7A, s1;
	s8 =	simm.s32 @!p0 $0x1BF5;
	p2 =	por !p2, p0  }
0x20: {  	[sflag:s8] =	ssyncset.s32 @!p0 $0xFFFFF086;
	s6 =	sadd.s32 @!p0 s3, s7;
	s7 =	simm.s32 @!p0 $0x108  }
0x21: {  	s3 =	sadd.s32 s3, s9;
	s6 =	sadd.s32 @!p0 $0x88, s6;
	s7 =	simm.s32 @p2 $0x1082  }
0x22: {  	[simem:s7], [sflag:s8] =	dma.local @!p0 [hbm:s6], $0xF7A  }
0x23: {  	s9 =	sor.u32 $0xD0000000, s2;
	s6 =	simm.s32 $0x108;
	_ =	swait.ge @!p0 [sflag:s8], $0x0  }
0x24: {  	s3 =	sadd.s32 $0x88, s3;
	s6 =	simm.s32 @!p1 $0x1082;
	[sflag:s4] =	ssyncset.s32 $0xFFFFF086  }
0x25: {  	[simem:s6], [sflag:s4] =	dma.local [hbm:s3], $0xF7A  }
0x26: {  	[smem:$0x3F9F] =	sst s1;
	(tag) =	ssettag s2;
	_ =	strace s9  }
0x27: {  	s1 =	sld [smem:$0x3FAF]  }
0x28: {  	s2 =	sld [smem:$0x3FB0]  }
0x29: {  	s4 =	sld [smem:$0x3FB2]  }
0x2a: {  	p0 =	seq.s32 s5, $0x0;
	s5 =	sld [smem:$0x3FB3]  }
0x2b: {  	s6 =	sld [smem:$0x3FB4]  }
0x2c: {  	s7 =	sld [smem:$0x3FB5]  }
0x2d: {  	s3 =	simm.s32 $0x108;
	s8 =	sld [smem:$0x3FB6]  }
0x2e: {  	s3 =	simm.s32 @!p0 $0x1082;
	s9 =	sld [smem:$0x3FB7]  }
0x2f: {  	lr =	sadd.s32 s0, s3;
	s0 =	sld [smem:$0x3FAE]  }
0x30: {  	s3 =	sld [smem:$0x3FB1]  }
0x31: {  	[smem:$0x3FBA] =	sst s10  }
0x32: {  	s10 =	sld [smem:$0x3FB8];
	_ =	sdelay $0x3  }
0x33: {  	p0 =	seq.s32 s10, $0x1;
	s10 =	sld [smem:$0x3FBA];
	_ =	sdelay $0x3  }
0x34: {  	[smem:$0x3FBA] =	sst s10  }
0x35: {  	s10 =	sld [smem:$0x3FB9];
	_ =	sdelay $0x3  }
0x36: {  	p1 =	seq.s32 s10, $0x1;
	s10 =	sld [smem:$0x3FBA];
	_ =	sdelay $0x3  }
0x37: {  	[smem:$0x3FBA] =	sst s10  }
0x38: {  	s10 =	sld [smem:$0x3FBB]  }
0x39: {  	_ = 	snop;
	(pc) =	sbr.ind lr, $3  }
0x3a: {  	_ = 	snop  }
0x3b: {  	_ = 	snop  }
0x3c: {  	p2 =	seq.s32 s10, $0x1;
	s10 =	sld [smem:$0x3FBA]  }
0x3d: {  	_ =	shalt  }
0x3e: {  	_ =	shalt  }
0x3f: {  	_ =	shalt  }
0x40: {  	_ =	shalt  }
0x41: {  	_ =	shalt  }
0x42: {  	_ =	shalt  }
0x43: {  	_ =	shalt  }
0x44: {  	_ =	shalt  }
0x45: {  	_ =	shalt  }
0x46: {  	_ =	shalt  }
0x47: {  	_ =	shalt  }
0x48: {  	_ =	shalt  }
0x49: {  	_ =	shalt  }
0x4a: {  	_ =	shalt  }
0x4b: {  	_ =	shalt  }
0x4c: {  	_ =	shalt  }
0x4d: {  	_ =	shalt  }
0x4e: {  	_ =	shalt  }
0x4f: {  	_ =	shalt  }
0x50: {  	_ =	shalt  }
0x51: {  	_ =	shalt  }
0x52: {  	_ =	shalt  }
0x53: {  	_ =	shalt  }
0x54: {  	_ =	shalt  }
0x55: {  	_ =	shalt  }
0x56: {  	_ =	shalt  }
0x57: {  	_ =	shalt  }
0x58: {  	_ =	shalt  }
0x59: {  	_ =	shalt  }
0x5a: {  	_ =	shalt  }
0x5b: {  	_ =	shalt  }
0x5c: {  	_ =	shalt  }
0x5d: {  	_ =	shalt  }
0x5e: {  	_ =	shalt  }
0x5f: {  	_ =	shalt  }
0x60: {  	_ =	shalt  }
0x61: {  	_ =	shalt  }
0x62: {  	_ =	shalt  }
0x63: {  	_ =	shalt  }
0x64: {  	_ =	shalt  }
0x65: {  	_ =	shalt  }
0x66: {  	_ =	shalt  }
0x67: {  	_ =	shalt  }
0x68: {  	_ =	shalt  }
0x69: {  	_ =	shalt  }
0x6a: {  	_ =	shalt  }
0x6b: {  	_ =	shalt  }
0x6c: {  	_ =	shalt  }
0x6d: {  	_ =	shalt  }
0x6e: {  	_ =	shalt  }
0x6f: {  	_ =	shalt  }
0x70: {  	_ =	shalt  }
0x71: {  	_ =	shalt  }
0x72: {  	_ =	shalt  }
0x73: {  	_ =	shalt  }
0x74: {  	_ =	shalt  }
0x75: {  	_ =	shalt  }
0x76: {  	_ =	shalt  }
0x77: {  	_ =	shalt  }
0x78: {  	_ =	shalt  }
0x79: {  	_ =	shalt  }
0x7a: {  	_ =	shalt  }
0x7b: {  	_ =	shalt  }
0x7c: {  	_ =	shalt  }
0x7d: {  	_ =	shalt  }
0x7e: {  	_ =	shalt  }
0x7f: {  	_ =	shalt  }
0x80: {  	_ =	shalt  }
0x81: {  	_ =	shalt  }
0x82: {  	_ =	shalt  }
0x83: {  	_ =	shalt  }
0x84: {  	_ =	shalt  }
0x85: {  	_ =	shalt  }
0x86: {  	_ =	shalt  }
0x87: {  	_ =	shalt  }
.Lfunc_end0:
.L_simem_size_0:
called_computation_lowered:
.L_overlay_start_0:
0x88: {  	s2 =	sld [smem:$0x3FD9]  }
0x89: {  	s3 =	sld [smem:$0x3FFE];
	_ =	sdelay $0x1  }
0x8a: {  	s1 =	srdreg.scid  }
0x8b: {  	s0 =	sand.u32 $0x1, s1  }
0x8c: {  	s14 =	sshll.u32 s0, $0xA;
	s2 =	sadd.s32 s3, s2  }
0x8d: {  	s2 =	sadd.s32 s2, s14  }
0x8e: {  	[smem:$0x3FC6] =	sst s2  }
0x8f: {  	_ = 	snop  }
0x90: {  	s2 =	sld [smem:$0x3FD0];
	_ =	sdelay $0x2  }
0x91: {  	s15 =	simm.s32 $0xA;
	s4 =	simm.s32 $0x10  }
0x92: {  	[smem:s4], [sflag:s15] =	dma.local [hbm:s2], $0x1  }
0x93: {  	_ =	swait.eq [sflag:s15], $0x1  }
0x94: {  	[sflag:s15] =	ssyncset.done $0x0  }
0x95: {  	[sflag:s15] =	ssyncadd.s32 $0xFFFFFFFF  }
0x96: {  	s16 =	sld [smem:$0x10];
	(tm) =	ssettm $0x1  }
0x97: {  	s17 =	sld [smem:$0x3FFB];
	_ =	sdelay $0x3  }
0x98: {  	_ =	strace s17  }
0x99: {  	s3 =	sld [smem:$0x3FFC];
	_ =	sdelay $0x3  }
0x9a: {  	_ =	strace s3  }
0x9b: {  	s3 =	sld [smem:$0x3FFD];
	_ =	sdelay $0x3  }
0x9c: {  	_ =	strace s3  }
0x9d: {  	_ =	strace $0x8FFFFFFF  }
0x9e: {  	s18 =	sld [smem:$0x3FDB];
	_ =	sdelay $0x1  }
0x9f: {  	s19 =	simm.s32 $_scs_section_size  }
0xa0: {  	s5 =	simm.s32 $_size__tile_overlayer_lowered;
	s6 =	simm.s32 $_tile_overlayer_lowered  }
0xa1: {  	s22 =	simm.s32 $0x1BFF;
	s21 =	sshll.u32 s6, $0x1;
	s3 =	sadd.s32 s19, s18  }
0xa2: {  	s7 =	simm.s32 $0x0;
	s20 =	sshll.u32 s5, $0x1;
	s5 =	sadd.s32 s21, s3  }
0xa3: {  	[timem:s7], [sflag:s22] =	dma.local [hbm:s5], s20  }
0xa4: {  	_ =	swait.ge [sflag:s22], s20  }
0xa5: {  	s4 =	ssub.s32 $0x0, s20;
	[sflag:s22] =	ssyncset.done $0x0  }
0xa6: {  	[sflag:s22] =	ssyncadd.s32 s4;
	_ =	sdelay $0x1  }
0xa7: {  	s23 =	simm.s32 $0x1B8B  }
0xa8: {  	_ =	swait.ge [sflag:s23], $0x1  }
0xa9: {  	[sflag:s23] =	ssyncset.done $0x0  }
0xaa: {  	s25 =	simm.s32 $0x1B8E;
	s24 =	sld [smem:$0x3FFE];
	[sflag:s23] =	ssyncadd.s32 $0xFFFFFFFF  }
0xab: {  	s26 =	simm.s32 $execute0_lowered;
	[smem:$0x3FD2] =	sst s25  }
0xac: {  	s5 =	sshll.u32 s26, $0x1;
	_ =	strace $0x80000046;
	[dreg:$0x1] =	wrdreg $0xFFFFFFFF  }
0xad: {  	s28 =	simm.s32 $_size_execute0_lowered;
	s3 =	sadd.s32 s3, s5;
	[dreg:$0x0] =	wrdreg $0x0  }
0xae: {  	s5 =	sshll.u32 s28, $0x1;
	[dreg:$0x2] =	wrdreg s3  }
0xaf: {  	[dreg:$0x3] =	wrdreg s5  }
0xb0: {  	[dreg:$0x4] =	wrdreg $0xC0  }
0xb1: {  	_ =	task [dreg:s7], $0x5FFFF  }
0xb2: {  	[dreg:$0x1] =	wrdreg $0xFFFFFFFF  }
0xb3: {  	[dreg:$0x0] =	wrdreg $0x60  }
0xb4: {  	[dreg:$0x2] =	wrdreg s24  }
0xb5: {  	[dreg:$0x3] =	wrdreg s16  }
0xb6: {  	[dreg:$0x4] =	wrdreg $0x9  }
0xb7: {  	_ =	task.clear_ibuf [dreg:s7], $0x5FFFF;
	_ =	strace $0x90000046  }
0xb8: {  	s29 =	simm.s32 $0x9;
	_ =	strace $0x80000048  }
0xb9: {  	_ =	swait.ge [sflag:s29], $0x1  }
0xba: {  	[sflag:s29] =	ssyncadd.s32 $0xFFFFFFFF  }
0xbb: {  	_ =	strace $0x90000048  }
0xbc: {  	_ =	sfence  }
0xbd: {  	s30 =	sld [smem:$0x0];
	_ =	sdelay $0x2  }
0xbe: {  	s31 =	sshll.u32 s1, $0xD;
	s1 =	sshrl.u32 s1, $0x2  }
0xbf: {  	s3 =	sand.u32 $0x4000, s31;
	s1 =	sadd.s32 s1, s30  }
0xc0: {  	s0 =	sor.u32 s3, s0;
	s1 =	sshll.u32 s1, $0x11  }
0xc1: {  	s0 =	sor.u32 s1, s0  }
0xc2: {  	s0 =	sadd.s32 $0x8F2B, s0  }
0xc3: {  	[sflag:s0] =	ssyncadd.remote.s32 $0x1  }
0xc4: {  	_ =	sfence.sel $0xFFFF  }
0xc5: {  	[dreg:$0x0] =	wrdreg $0xFFFFFFFF;
	(pc) =	sbr.abs _section_cstart, $3  }
0xc6: {  	[dreg:$0x1] =	wrdreg $0xFFFFFFFF  }
0xc7: {  	_ =	task.clear_ibuf [dreg:s7], $0x2FFFF;
	_ =	strace $0x9FFFFFFF  }
0xc8: {  	(tm) =	ssettm $0x7FFFFFFF  }
0xc9: {  	_ =	shalt  }
tec
execute0_lowered:
.L_overlay_start_1:
0x0: {  	(tag) =	ssettag $0x1  }
0x1: {  	s1 =	srdreg.scid;
	s0 =	stileid.u32  }
0x2: {  	s5 =	rddreg [dreg:$0x0];
	s1 =	sand.u32 $0x1, s1;
	s4 =	sshll.u32 s0, $0x1  }
0x3: {  	s3 =	rddreg [dreg:$0x1];
	s16 =	sor.u32 s1, s4  }
0x4: {  	s2 =	simm.s32 $0x0;
	s4 =	sshll.u32 s16, $0x8;
	s26 =	smul.u32 $0x5000, s16  }
0x5: {  	[smem:$0x7FF] =	sst s2;
	s18 =	sadd.s32 $0x18B600, s5;
	s3 =	sadd.s32 s3, s4  }
0x6: {  	_ =	strace $0x80000047;
	[dreg:$0x3] =	wrdreg s3;
	s3 =	sadd.s32 s18, s26  }
0x7: {  	s6 =	rddreg [dreg:$0x3];
	s4 =	sadd.s32 $0x800, s3  }
0x8: {  	[dreg:$0x4] =	wrdreg s4;
	s4 =	simm.s32 $0x5  }
0x9: {  	[tilespmem:s2], [sflag:$0x5] =	stream.linear.gather [hbm4b:s6+s2], $0x500, $0x38;
	[tilespmem:$0x10800] =	vst v63  }
0xa: {  	_ =	swait.ge [sflag:s4], $0x500  }
0xb: {  	s7 =	simm.s32 $0x800;
	[sflag:s4] =	ssyncset.done $0x0  }
0xc: {  	s5 =	sadd.s32 $0x1013600, s5;
	s6 =	simm.s32 $0x80;
	[sflag:s4] =	ssyncadd.s32 $0xFFFFFB00  }
0xd: {  	[tilespmem:s7], [sflag:$0x1] =	stream.indirect.gather [hbm4b:s5+s6], $0x80, s2, s6, $0xb8;
	[tilespmem:$0x10800] =	vst v63  }
0xe: {  	s8 =	simm.s32 $0x4800  }
0xf: {  	[tilespmem:s8], [sflag:$0x2] =	stream.indirect.gather [hbm4b:s5+s6], $0x80, s6, s6, $0xb8;
	[tilespmem:$0x10800] =	vst v63  }
0x10: {  	s9 =	simm.s32 $0x100;
	s10 =	simm.s32 $0x8800  }
0x11: {  	[tilespmem:s10], [sflag:$0x3] =	stream.indirect.gather [hbm4b:s5+s6], $0x80, s9, s6, $0xb8;
	[tilespmem:$0x10800] =	vst v63  }
0x12: {  	s11 =	simm.s32 $0x180;
	s12 =	simm.s32 $0xC800;
	s13 =	simm.s32 $0x1  }
0x13: {  	[tilespmem:s12], [sflag:$0x4] =	stream.indirect.gather [hbm4b:s5+s6], $0x80, s11, s6, $0xb8;
	[tilespmem:$0x10800] =	vst v63  }
0x14: {  	_ =	swait.ge [sflag:s13], $0x4000  }
0x15: {  	[sflag:s13] =	ssyncset.done $0x0  }
0x16: {  	[sflag:s13] =	ssyncadd.s32 $0xFFFFC000  }
0x17: {  	[hbm4b:s3+s2] =	stream.linear.scatter [tilespmem:s7], [sflag:$0x5], $0x4000, $0x38;
	[tilespmem:$0x10800] =	vst v63  }
0x18: {  	_ =	swait.ge [sflag:s4], $0x4000  }
0x19: {  	[sflag:s4] =	ssyncset.done $0x0  }
0x1a: {  	s14 =	simm.s32 $0x200;
	s15 =	simm.s32 $0x2;
	[sflag:s4] =	ssyncadd.s32 $0xFFFFC000  }
0x1b: {  	[tilespmem:s7], [sflag:$0x1] =	stream.indirect.gather [hbm4b:s5+s6], $0x80, s14, s6, $0xb8;
	[tilespmem:$0x10800] =	vst v63  }
0x1c: {  	_ =	swait.ge [sflag:s15], $0x4000  }
0x1d: {  	[sflag:s15] =	ssyncset.done $0x0  }
0x1e: {  	s17 =	rddreg [dreg:$0x4];
	[sflag:s15] =	ssyncadd.s32 $0xFFFFC000  }
0x1f: {  	[hbm4b:s17+s2] =	stream.linear.scatter [tilespmem:s8], [sflag:$0x5], $0x4000, $0x38;
	[tilespmem:$0x10800] =	vst v63  }
0x20: {  	_ =	swait.ge [sflag:s4], $0x4000  }
0x21: {  	s19 =	smul.u32 $0x28000, s16;
	[sflag:s4] =	ssyncset.done $0x0  }
0x22: {  	s16 =	simm.s32 $0x280;
	s17 =	simm.s32 $0x3;
	[sflag:s4] =	ssyncadd.s32 $0xFFFFC000  }
0x23: {  	[tilespmem:s8], [sflag:$0x2] =	stream.indirect.gather [hbm4b:s5+s6], $0x80, s16, s6, $0xb8;
	[tilespmem:$0x10800] =	vst v63  }
0x24: {  	s19 =	sshrl.u32 s19, $0x3;
	_ =	swait.ge [sflag:s17], $0x4000  }
0x25: {  	s31 =	sadd.s32 s18, s19;
	[sflag:s17] =	ssyncset.done $0x0  }
0x26: {  	s18 =	sadd.s32 $0x1000, s31;
	[sflag:s17] =	ssyncadd.s32 $0xFFFFC000  }
0x27: {  	[hbm4b:s18+s2] =	stream.linear.scatter [tilespmem:s10], [sflag:$0x5], $0x4000, $0x38;
	[tilespmem:$0x10800] =	vst v63  }
0x28: {  	_ =	swait.ge [sflag:s4], $0x4000  }
0x29: {  	[sflag:s4] =	ssyncset.done $0x0  }
0x2a: {  	s20 =	simm.s32 $0x4;
	s19 =	simm.s32 $0x300;
	[sflag:s4] =	ssyncadd.s32 $0xFFFFC000  }
0x2b: {  	[tilespmem:s10], [sflag:$0x3] =	stream.indirect.gather [hbm4b:s5+s6], $0x80, s19, s6, $0xb8;
	[tilespmem:$0x10800] =	vst v63  }
0x2c: {  	_ =	swait.ge [sflag:s20], $0x4000  }
0x2d: {  	[sflag:s20] =	ssyncset.done $0x0  }
0x2e: {  	s21 =	sadd.s32 $0x1800, s31;
	[sflag:s20] =	ssyncadd.s32 $0xFFFFC000  }
0x2f: {  	[hbm4b:s21+s2] =	stream.linear.scatter [tilespmem:s12], [sflag:$0x5], $0x4000, $0x38;
	[tilespmem:$0x10800] =	vst v63  }
0x30: {  	_ =	swait.ge [sflag:s4], $0x4000  }
0x31: {  	[sflag:s4] =	ssyncset.done $0x0  }
0x32: {  	s22 =	simm.s32 $0x380;
	[sflag:s4] =	ssyncadd.s32 $0xFFFFC000  }
0x33: {  	[tilespmem:s12], [sflag:$0x4] =	stream.indirect.gather [hbm4b:s5+s6], $0x80, s22, s6, $0xb8;
	[tilespmem:$0x10800] =	vst v63  }
0x34: {  	_ =	swait.ge [sflag:s13], $0x4000  }
0x35: {  	[sflag:s13] =	ssyncset.done $0x0  }
0x36: {  	s23 =	sadd.s32 $0x2000, s31;
	[sflag:s13] =	ssyncadd.s32 $0xFFFFC000  }
0x37: {  	[hbm4b:s23+s2] =	stream.linear.scatter [tilespmem:s7], [sflag:$0x5], $0x4000, $0x38;
	[tilespmem:$0x10800] =	vst v63  }
0x38: {  	_ =	swait.ge [sflag:s4], $0x4000  }
0x39: {  	[sflag:s4] =	ssyncset.done $0x0  }
0x3a: {  	s24 =	simm.s32 $0x400;
	[sflag:s4] =	ssyncadd.s32 $0xFFFFC000  }
0x3b: {  	[tilespmem:s7], [sflag:$0x1] =	stream.indirect.gather [hbm4b:s5+s6], $0x80, s24, s6, $0xb8;
	[tilespmem:$0x10800] =	vst v63  }
0x3c: {  	_ =	swait.ge [sflag:s15], $0x4000  }
0x3d: {  	[sflag:s15] =	ssyncset.done $0x0  }
0x3e: {  	s25 =	sadd.s32 $0x2800, s31;
	[sflag:s15] =	ssyncadd.s32 $0xFFFFC000  }
0x3f: {  	[hbm4b:s25+s2] =	stream.linear.scatter [tilespmem:s8], [sflag:$0x5], $0x4000, $0x38;
	[tilespmem:$0x10800] =	vst v63  }
0x40: {  	_ =	swait.ge [sflag:s4], $0x4000  }
0x41: {  	[sflag:s4] =	ssyncset.done $0x0  }
0x42: {  	s26 =	simm.s32 $0x480;
	[sflag:s4] =	ssyncadd.s32 $0xFFFFC000  }
0x43: {  	[tilespmem:s8], [sflag:$0x2] =	stream.indirect.gather [hbm4b:s5+s6], $0x80, s26, s6, $0xb8;
	[tilespmem:$0x10800] =	vst v63  }
0x44: {  	_ =	swait.ge [sflag:s17], $0x4000  }
0x45: {  	[sflag:s17] =	ssyncset.done $0x0  }
0x46: {  	s28 =	sadd.s32 $0x3000, s31;
	[sflag:s17] =	ssyncadd.s32 $0xFFFFC000  }
0x47: {  	[hbm4b:s28+s2] =	stream.linear.scatter [tilespmem:s10], [sflag:$0x5], $0x4000, $0x38;
	[tilespmem:$0x10800] =	vst v63  }
0x48: {  	_ =	swait.ge [sflag:s4], $0x4000  }
0x49: {  	[sflag:s4] =	ssyncset.done $0x0  }
0x4a: {  	[sflag:s4] =	ssyncadd.s32 $0xFFFFC000  }
0x4b: {  	_ =	swait.ge [sflag:s20], $0x4000  }
0x4c: {  	[sflag:s20] =	ssyncset.done $0x0  }
0x4d: {  	s29 =	sadd.s32 $0x3800, s31;
	[sflag:s20] =	ssyncadd.s32 $0xFFFFC000  }
0x4e: {  	[hbm4b:s29+s2] =	stream.linear.scatter [tilespmem:s12], [sflag:$0x5], $0x4000, $0x38;
	[tilespmem:$0x10800] =	vst v63  }
0x4f: {  	_ =	swait.ge [sflag:s4], $0x4000  }
0x50: {  	[sflag:s4] =	ssyncset.done $0x0  }
0x51: {  	[sflag:s4] =	ssyncadd.s32 $0xFFFFC000  }
0x52: {  	_ =	swait.ge [sflag:s13], $0x4000  }
0x53: {  	s1 =	ssub.s32 $0x2, s1;
	[sflag:s13] =	ssyncset.done $0x0  }
0x54: {  	s0 =	sshrl.u32 s1, $0x1;
	s30 =	sadd.s32 $0x4000, s31;
	[sflag:s13] =	ssyncadd.s32 $0xFFFFC000  }
0x55: {  	[hbm4b:s30+s2] =	stream.linear.scatter [tilespmem:s7], [sflag:$0x5], $0x4000, $0x38;
	[tilespmem:$0x10800] =	vst v63  }
0x56: {  	s0 =	ssub.s32 s1, s0;
	_ =	swait.ge [sflag:s4], $0x4000  }
0x57: {  	s0 =	smax.u32 s0, $0x1;
	[sflag:s4] =	ssyncset.done $0x0  }
0x58: {  	p0 =	sne.s32 s0, $0x1;
	[sflag:s4] =	ssyncadd.s32 $0xFFFFC000  }
.Ltmp0:
0x59: {  	_ =	swait.ge [sflag:s15], $0x4000;
	(pc) =	sbr.rel @!p0 .LBB2_2-.Ltmp0, $4  }
0x5a: {  	[sflag:s15] =	ssyncset.done $0x0  }
0x5b: {  	s31 =	sadd.s32 $0x4800, s31;
	[sflag:s15] =	ssyncadd.s32 $0xFFFFC000  }
0x5c: {  	[hbm4b:s31+s2] =	stream.linear.scatter [tilespmem:s8], [sflag:$0x5], $0x4000, $0x38;
	[tilespmem:$0x10800] =	vst v63  }
0x5d: {  	s1 =	sadd.s32 $0xFFFFFFFF, s0;
	_ =	swait.ge [sflag:s4], $0x4000  }
.LBB2_1:
0x5e: {  	[sflag:s4] =	ssyncset.done $0x0  }
0x5f: {  	s0 =	rddreg [dreg:$0x3];
	[sflag:s4] =	ssyncadd.s32 $0xFFFFC000  }
0x60: {  	[tilespmem:s2], [sflag:$0x5] =	stream.linear.gather [hbm4b:s0+s2], $0x500, $0x38;
	[tilespmem:$0x10800] =	vst v63  }
0x61: {  	_ =	swait.ge [sflag:s4], $0x500  }
0x62: {  	[sflag:s4] =	ssyncset.done $0x0  }
0x63: {  	[sflag:s4] =	ssyncadd.s32 $0xFFFFFB00  }
0x64: {  	[tilespmem:s7], [sflag:$0x1] =	stream.indirect.gather [hbm4b:s5+s6], $0x80, s2, s6, $0xb8;
	[tilespmem:$0x10800] =	vst v63  }
0x65: {  	_ = 	snop  }
0x66: {  	[tilespmem:s8], [sflag:$0x2] =	stream.indirect.gather [hbm4b:s5+s6], $0x80, s6, s6, $0xb8;
	[tilespmem:$0x10800] =	vst v63  }
0x67: {  	_ = 	snop  }
0x68: {  	[tilespmem:s10], [sflag:$0x3] =	stream.indirect.gather [hbm4b:s5+s6], $0x80, s9, s6, $0xb8;
	[tilespmem:$0x10800] =	vst v63  }
0x69: {  	_ = 	snop  }
0x6a: {  	[tilespmem:s12], [sflag:$0x4] =	stream.indirect.gather [hbm4b:s5+s6], $0x80, s11, s6, $0xb8;
	[tilespmem:$0x10800] =	vst v63  }
0x6b: {  	_ =	swait.ge [sflag:s13], $0x4000  }
0x6c: {  	[sflag:s13] =	ssyncset.done $0x0  }
0x6d: {  	[sflag:s13] =	ssyncadd.s32 $0xFFFFC000  }
0x6e: {  	[hbm4b:s3+s2] =	stream.linear.scatter [tilespmem:s7], [sflag:$0x5], $0x4000, $0x38;
	[tilespmem:$0x10800] =	vst v63  }
0x6f: {  	_ =	swait.ge [sflag:s4], $0x4000  }
0x70: {  	[sflag:s4] =	ssyncset.done $0x0  }
0x71: {  	[sflag:s4] =	ssyncadd.s32 $0xFFFFC000  }
0x72: {  	[tilespmem:s7], [sflag:$0x1] =	stream.indirect.gather [hbm4b:s5+s6], $0x80, s14, s6, $0xb8;
	[tilespmem:$0x10800] =	vst v63  }
0x73: {  	_ =	swait.ge [sflag:s15], $0x4000  }
0x74: {  	[sflag:s15] =	ssyncset.done $0x0  }
0x75: {  	s0 =	rddreg [dreg:$0x4];
	[sflag:s15] =	ssyncadd.s32 $0xFFFFC000  }
0x76: {  	[hbm4b:s0+s2] =	stream.linear.scatter [tilespmem:s8], [sflag:$0x5], $0x4000, $0x38;
	[tilespmem:$0x10800] =	vst v63  }
0x77: {  	_ =	swait.ge [sflag:s4], $0x4000  }
0x78: {  	[sflag:s4] =	ssyncset.done $0x0  }
0x79: {  	[sflag:s4] =	ssyncadd.s32 $0xFFFFC000  }
0x7a: {  	[tilespmem:s8], [sflag:$0x2] =	stream.indirect.gather [hbm4b:s5+s6], $0x80, s16, s6, $0xb8;
	[tilespmem:$0x10800] =	vst v63  }
0x7b: {  	_ =	swait.ge [sflag:s17], $0x4000  }
0x7c: {  	[sflag:s17] =	ssyncset.done $0x0  }
0x7d: {  	[sflag:s17] =	ssyncadd.s32 $0xFFFFC000  }
0x7e: {  	[hbm4b:s18+s2] =	stream.linear.scatter [tilespmem:s10], [sflag:$0x5], $0x4000, $0x38;
	[tilespmem:$0x10800] =	vst v63  }
0x7f: {  	_ =	swait.ge [sflag:s4], $0x4000  }
0x80: {  	[sflag:s4] =	ssyncset.done $0x0  }
0x81: {  	[sflag:s4] =	ssyncadd.s32 $0xFFFFC000  }
0x82: {  	[tilespmem:s10], [sflag:$0x3] =	stream.indirect.gather [hbm4b:s5+s6], $0x80, s19, s6, $0xb8;
	[tilespmem:$0x10800] =	vst v63  }
0x83: {  	_ =	swait.ge [sflag:s20], $0x4000  }
0x84: {  	[sflag:s20] =	ssyncset.done $0x0  }
0x85: {  	[sflag:s20] =	ssyncadd.s32 $0xFFFFC000  }
0x86: {  	[hbm4b:s21+s2] =	stream.linear.scatter [tilespmem:s12], [sflag:$0x5], $0x4000, $0x38;
	[tilespmem:$0x10800] =	vst v63  }
0x87: {  	_ =	swait.ge [sflag:s4], $0x4000  }
0x88: {  	[sflag:s4] =	ssyncset.done $0x0  }
0x89: {  	[sflag:s4] =	ssyncadd.s32 $0xFFFFC000  }
0x8a: {  	[tilespmem:s12], [sflag:$0x4] =	stream.indirect.gather [hbm4b:s5+s6], $0x80, s22, s6, $0xb8;
	[tilespmem:$0x10800] =	vst v63  }
0x8b: {  	_ =	swait.ge [sflag:s13], $0x4000  }
0x8c: {  	[sflag:s13] =	ssyncset.done $0x0  }
0x8d: {  	[sflag:s13] =	ssyncadd.s32 $0xFFFFC000  }
0x8e: {  	[hbm4b:s23+s2] =	stream.linear.scatter [tilespmem:s7], [sflag:$0x5], $0x4000, $0x38;
	[tilespmem:$0x10800] =	vst v63  }
0x8f: {  	_ =	swait.ge [sflag:s4], $0x4000  }
0x90: {  	[sflag:s4] =	ssyncset.done $0x0  }
0x91: {  	[sflag:s4] =	ssyncadd.s32 $0xFFFFC000  }
0x92: {  	[tilespmem:s7], [sflag:$0x1] =	stream.indirect.gather [hbm4b:s5+s6], $0x80, s24, s6, $0xb8;
	[tilespmem:$0x10800] =	vst v63  }
0x93: {  	_ =	swait.ge [sflag:s15], $0x4000  }
0x94: {  	[sflag:s15] =	ssyncset.done $0x0  }
0x95: {  	[sflag:s15] =	ssyncadd.s32 $0xFFFFC000  }
0x96: {  	[hbm4b:s25+s2] =	stream.linear.scatter [tilespmem:s8], [sflag:$0x5], $0x4000, $0x38;
	[tilespmem:$0x10800] =	vst v63  }
0x97: {  	_ =	swait.ge [sflag:s4], $0x4000  }
0x98: {  	[sflag:s4] =	ssyncset.done $0x0  }
0x99: {  	[sflag:s4] =	ssyncadd.s32 $0xFFFFC000  }
0x9a: {  	[tilespmem:s8], [sflag:$0x2] =	stream.indirect.gather [hbm4b:s5+s6], $0x80, s26, s6, $0xb8;
	[tilespmem:$0x10800] =	vst v63  }
0x9b: {  	_ =	swait.ge [sflag:s17], $0x4000  }
0x9c: {  	[sflag:s17] =	ssyncset.done $0x0  }
0x9d: {  	[sflag:s17] =	ssyncadd.s32 $0xFFFFC000  }
0x9e: {  	[hbm4b:s28+s2] =	stream.linear.scatter [tilespmem:s10], [sflag:$0x5], $0x4000, $0x38;
	[tilespmem:$0x10800] =	vst v63  }
0x9f: {  	_ =	swait.ge [sflag:s4], $0x4000  }
0xa0: {  	[sflag:s4] =	ssyncset.done $0x0  }
0xa1: {  	[sflag:s4] =	ssyncadd.s32 $0xFFFFC000  }
0xa2: {  	_ =	swait.ge [sflag:s20], $0x4000  }
0xa3: {  	[sflag:s20] =	ssyncset.done $0x0  }
0xa4: {  	[sflag:s20] =	ssyncadd.s32 $0xFFFFC000  }
0xa5: {  	[hbm4b:s29+s2] =	stream.linear.scatter [tilespmem:s12], [sflag:$0x5], $0x4000, $0x38;
	[tilespmem:$0x10800] =	vst v63  }
0xa6: {  	_ =	swait.ge [sflag:s4], $0x4000  }
0xa7: {  	[sflag:s4] =	ssyncset.done $0x0  }
0xa8: {  	[sflag:s4] =	ssyncadd.s32 $0xFFFFC000  }
0xa9: {  	_ =	swait.ge [sflag:s13], $0x4000  }
0xaa: {  	[sflag:s13] =	ssyncset.done $0x0  }
0xab: {  	[sflag:s13] =	ssyncadd.s32 $0xFFFFC000  }
0xac: {  	[hbm4b:s30+s2] =	stream.linear.scatter [tilespmem:s7], [sflag:$0x5], $0x4000, $0x38;
	[tilespmem:$0x10800] =	vst v63  }
0xad: {  	_ =	swait.ge [sflag:s4], $0x4000  }
0xae: {  	[sflag:s4] =	ssyncset.done $0x0  }
0xaf: {  	p0 =	sne.s32 s1, $0x1;
	[sflag:s4] =	ssyncadd.s32 $0xFFFFC000  }
.Ltmp1:
0xb0: {  	_ =	swait.ge [sflag:s15], $0x4000;
	(pc) =	sbr.rel @p0 .LBB2_1-.Ltmp1, $4  }
0xb1: {  	[sflag:s15] =	ssyncset.done $0x0  }
0xb2: {  	[sflag:s15] =	ssyncadd.s32 $0xFFFFC000  }
0xb3: {  	[hbm4b:s31+s2] =	stream.linear.scatter [tilespmem:s8], [sflag:$0x5], $0x4000, $0x38;
	[tilespmem:$0x10800] =	vst v63  }
0xb4: {  	s1 =	sadd.s32 $0xFFFFFFFF, s1;
	_ =	swait.ge [sflag:s4], $0x4000  }
.LBB2_2:
0xb5: {  	[sflag:s4] =	ssyncset.done $0x0  }
0xb6: {  	[sflag:s4] =	ssyncadd.s32 $0xFFFFC000  }
0xb7: {  	_ =	sfence.sel $0x180000  }
0xb8: {  	[bflag:$0x0] =	sbarrier.arrive $0xFFFF  }
0xb9: {  	_ =	strace $0x90000047  }
0xba: {  	s0 =	stileid.u32;
	[bflag:$0x2] =	sbarrier.arrive $0xFFFF  }
0xbb: {  	p0 =	sne.s32 s0, $0x0;
	s0 =	rddreg [dreg:$0x2]  }
0xbc: {  	s0 =	sadd.s32 @!p0 $0x100000, s0  }
0xbd: {  	[sflag:s0] =	ssyncadd.tile.s32 @!p0 $0x1;
	_ =	shalt  }
.Lfunc_end2:
_tile_overlayer_lowered:
.L_overlay_start_2:
0xbe: {  	(tag) =	ssettag $0x2  }
0xbf: {  	s0 =	rddreg [dreg:$0x0];
	s2 =	stileid.u32  }
0xc0: {  	s1 =	rddreg [dreg:$0x1];
	p0 =	sne.s32 s2, $0x0  }
0xc1: {  	s3 =	rddreg [dreg:$0x2];
	[bflag:$0x3] =	sbarrier.arrive $0xFFFF;
	s2 =	simm.s32 @!p0 $0x1C05  }
0xc2: {  	[timem:s3], [sflag:s2] =	dma.local @!p0 [hbm:s0], s1  }
0xc3: {  	s0 =	simm.s32 @!p0 $0x5  }
0xc4: {  	_ =	swait.ge @!p0 [sflag:s0], s1  }
0xc5: {  	s1 =	ssub.s32 @!p0 $0x0, s1;
	[sflag:s0] =	ssyncset.done @!p0 $0x0  }
0xc6: {  	[sflag:s0] =	ssyncadd.s32 @!p0 s1  }
0xc7: {  	[bflag:$0x3] =	sbarrier.arrive $0xFFFF  }
0xc8: {  	_ =	shalt  }

</sc_bundles>
